<compile_context>
chip_gen: v7x
topology: tpu7x:2x2x1
jax: 0.10.2.dev20260603
libtpu: 0.0.44.dev20260713+nightly
codegen_flags: <defaults>
</compile_context>

<pallas_src>
import functools

import jax
import jax.numpy as jnp
from jax import lax
from jax.experimental import pallas as pl
from jax.experimental.pallas import tpu as pltpu
from jax.experimental.pallas import tpu_sc as plsc

VOCAB = 1000000
DIM = 32
B = 4096
L = 200

_INFO = plsc.get_sparse_core_info()
NC = _INFO.num_cores
NS = _INFO.num_subcores
NW = NC * NS
BW = B // NW

CB = 4
SEGS = ((0, 104), (104, 96))
NCHUNK = BW // CB
NBUF = 2


def _make_sc_gather():
  mesh = plsc.VectorSubcoreMesh(core_axis_name="c", subcore_axis_name="s")

  @functools.partial(
      pl.kernel,
      mesh=mesh,
      compiler_params=pltpu.CompilerParams(use_tc_tiling_on_sc=False),
      out_type=jax.ShapeDtypeStruct((B, L, DIM), jnp.float32),
      scratch_types=[
          pltpu.VMEM((BW, L), jnp.int32),
          pltpu.VMEM((NBUF, CB, L, DIM), jnp.float32),
          pltpu.SemaphoreType.DMA((NBUF,)),
          pltpu.SemaphoreType.DMA((NBUF,)),
      ],
  )
  def gather_kernel(idx_hbm, table_hbm, out_hbm, idx_v, rows_v, gsem, osem):
    wid = lax.axis_index("s") * NC + lax.axis_index("c")
    b_base = wid * BW

    pltpu.sync_copy(idx_hbm.at[pl.ds(b_base, BW)], idx_v)

    def each_stream(g, slot, fn):
      for r in range(CB):
        for off, seg in SEGS:
          idx_slice = idx_v.at[g * CB + r].at[pl.ds(off, seg)]
          dst = rows_v.at[slot].at[r].at[pl.ds(off, seg)]
          fn(table_hbm.at[idx_slice], dst, gsem.at[slot])

    def fire_gathers(g, slot):
      each_stream(g, slot, pltpu.async_copy)

    def wait_gathers(g, slot):
      each_stream(g, slot, lambda s, d, m: pltpu.make_async_copy(s, d, m).wait())

    def fire_out(g, slot):
      pltpu.async_copy(rows_v.at[slot],
                       out_hbm.at[pl.ds(b_base + g * CB, CB)], osem.at[slot])

    def wait_out(g, slot):
      pltpu.make_async_copy(rows_v.at[slot],
                            out_hbm.at[pl.ds(b_base + g * CB, CB)],
                            osem.at[slot]).wait()

    for b in range(NBUF):
      fire_gathers(b, b)

    def body(g0, carry):
      for b in range(NBUF):
        g = g0 + b
        wait_gathers(g, b)
        fire_out(g, b)
        ng = g + NBUF

        @pl.when(ng < NCHUNK)
        def _():
          wait_out(g, b)
          fire_gathers(ng, b)

        @pl.when(ng >= NCHUNK)
        def _():
          wait_out(g, b)
      return carry

    lax.fori_loop(0, NCHUNK // NBUF, lambda i, c: body(i * NBUF, c), 0,
                  unroll=False)

  return gather_kernel


_sc_gather = _make_sc_gather()


@jax.jit
def kernel(inputs, table):
  t128 = lax.optimization_barrier(table.reshape(VOCAB // 4, 128))
  out = _sc_gather(inputs.astype(jnp.int32), t128.reshape(VOCAB, DIM))
  return out.reshape(B, L, DIM)

# --- scband reference (transcript-rebuilt; emitter-appended) ---
"""Pipeline reference for scband-embedding-context-30477087932576 (READ-ONLY COPY).

The authoritative reference and input builder live on the scoring server;
editing this copy changes nothing except your own understanding.
"""

import jax, jax.numpy as jnp
import numpy as np

VOCAB = 1000000
DIM = 32
B = 4096
L = 200
PAD_IDX = 0


def setup_inputs(seed: int = 0) -> dict:
    key = jax.random.key(seed)
    k1, k2 = jax.random.split(key)
    inputs = jax.random.randint(k1, (B, L), 0, VOCAB)
    # Embedding table (nn.Embedding weight), padding row zeroed per padding_idx semantics
    table = jax.random.normal(k2, (VOCAB, DIM), dtype=jnp.float32)
    table = table.at[PAD_IDX].set(0.0)
    return {"inputs": inputs, "table": table}


def reference(inputs, table):
    # EmbeddingContext.forward with 2-D inputs, eval mode:
    # emb = self.embeddings(inputs); dropout is identity (training=False),
    # word_dropout == 0 so no token dropout branch.
    emb = jnp.take(table, inputs, axis=0)
    return emb

if __name__ == "__main__":
    import jax
    _d = setup_inputs()
    print(jax.jit(kernel)(*tuple(_d.values())))

</pallas_src>

<mosaic_0001>
#map = affine_map<(d0, d1) -> (0, 0)>
#map1 = affine_map<(d0, d1) -> (0, 0, 0)>
module attributes {stable_mosaic.version = 14 : i64} {
  func.func @gather_kernel(%arg0: i32, %arg1: i32, %arg2: memref<4096x200xi32, #tpu.memory_space<hbm>>, %arg3: memref<1000000x32xf32, #tpu.memory_space<hbm>>, %arg4: memref<4096x200x32xf32, #tpu.memory_space<hbm>>, %arg5: memref<128x200xi32, #tpu.memory_space<vmem>>, %arg6: memref<2x4x200x32xf32, #tpu.memory_space<vmem>>, %arg7: memref<2x!tpu.dma_semaphore, #tpu.memory_space<semaphore_mem>>, %arg8: memref<2x!tpu.dma_semaphore, #tpu.memory_space<semaphore_mem>>) attributes {dimension_semantics = [#tpu.dimension_semantics<core_parallel>, #tpu.dimension_semantics<subcore_parallel>], iteration_bounds = array<i64: 2, 16>, scalar_prefetch = 0 : i64, scratch_operands = 4 : i64, tpu.core_type = #tpu.core_type<sc_vector_subcore>, window_params = [{transform_indices = #map}, {transform_indices = #map}, {transform_indices = #map1}]} {
    %mul3A = arith.constant 2 : i32
    %mul3A_0 = arith.muli %arg1, %mul3A : i32
    %add3A = arith.addi %mul3A_0, %arg0 : i32
    %mul3A_1 = arith.constant 128 : i32
    %mul3A_2 = arith.muli %add3A, %mul3A_1 : i32
    "tpu.region"() ({
      %run_scoped3A = tpu.sem_alloc : memref<!tpu.dma_semaphore, #tpu.memory_space<semaphore_mem>>
      %dma_start3A_423 = arith.constant 0 : i32
      %dma_start3A_424 = tpu.memref_slice %arg2[%mul3A_2, %dma_start3A_423] : memref<4096x200xi32, #tpu.memory_space<hbm>> -> memref<128x200xi32, #tpu.memory_space<hbm>>
      %dma_start3A_425 = arith.constant 0 : i32
      %dma_start3A_426 = tpu.memref_slice %arg2[%mul3A_2, %dma_start3A_425] : memref<4096x200xi32, #tpu.memory_space<hbm>> -> memref<128x200xi32, #tpu.memory_space<hbm>>
      tpu.enqueue_dma source(%dma_start3A_426 : memref<128x200xi32, #tpu.memory_space<hbm>>) target(%arg5 : memref<128x200xi32, #tpu.memory_space<vmem>>) target_semaphore(%run_scoped3A : memref<!tpu.dma_semaphore, #tpu.memory_space<semaphore_mem>>)
      %dma_wait3A = arith.constant 0 : i32
      %dma_wait3A_427 = tpu.memref_slice %arg2[%mul3A_2, %dma_wait3A] : memref<4096x200xi32, #tpu.memory_space<hbm>> -> memref<128x200xi32, #tpu.memory_space<hbm>>
      %dma_wait3A_428 = arith.constant 0 : i32
      %dma_wait3A_429 = tpu.memref_slice %arg2[%mul3A_2, %dma_wait3A_428] : memref<4096x200xi32, #tpu.memory_space<hbm>> -> memref<128x200xi32, #tpu.memory_space<hbm>>
      tpu.wait_dma2 semaphore(%run_scoped3A : memref<!tpu.dma_semaphore, #tpu.memory_space<semaphore_mem>>) src(%dma_wait3A_429 : memref<128x200xi32, #tpu.memory_space<hbm>>) dst(%arg5 : memref<128x200xi32, #tpu.memory_space<vmem>>)
      tpu.yield
    }) : () -> ()
    %dma_start3A = arith.constant 0 : i32
    %dma_start3A_3 = arith.constant 0 : i32
    %dma_start3A_4 = arith.constant 0 : i32
    %dma_start3A_5 = arith.constant 0 : i32
    %dma_start3A_6 = arith.constant 0 : i32
    %dma_start3A_7 = arith.constant 0 : i32
    %dma_start3A_8 = arith.constant 0 : i32
    %dma_start3A_9 = tpu.memref_slice %arg6[%dma_start3A_3, %dma_start3A_6, %dma_start3A_7, %dma_start3A_8] : memref<2x4x200x32xf32, #tpu.memory_space<vmem>> -> memref<1x4x200x32xf32, #tpu.memory_space<vmem>>
    %dma_start3A_10 = tpu.memref_squeeze %dma_start3A_9 : memref<1x4x200x32xf32, #tpu.memory_space<vmem>> -> memref<4x200x32xf32, #tpu.memory_space<vmem>>
    %dma_start3A_11 = arith.constant 0 : i32
    %dma_start3A_12 = arith.constant 0 : i32
    %dma_start3A_13 = tpu.memref_slice %dma_start3A_10[%dma_start3A_4, %dma_start3A_11, %dma_start3A_12] : memref<4x200x32xf32, #tpu.memory_space<vmem>> -> memref<1x200x32xf32, #tpu.memory_space<vmem>>
    %dma_start3A_14 = tpu.memref_squeeze %dma_start3A_13 : memref<1x200x32xf32, #tpu.memory_space<vmem>> -> memref<200x32xf32, #tpu.memory_space<vmem>>
    %dma_start3A_15 = arith.constant 0 : i32
    %dma_start3A_16 = arith.constant 0 : i32
    %dma_start3A_17 = tpu.memref_slice %dma_start3A_14[%dma_start3A_15, %dma_start3A_16] : memref<200x32xf32, #tpu.memory_space<vmem>> -> memref<104x32xf32, #tpu.memory_space<vmem>>
    %dma_start3A_18 = arith.constant 0 : i32
    %dma_start3A_19 = tpu.memref_slice %arg5[%dma_start3A, %dma_start3A_18] : memref<128x200xi32, #tpu.memory_space<vmem>> -> memref<1x200xi32, #tpu.memory_space<vmem>>
    %dma_start3A_20 = tpu.memref_squeeze %dma_start3A_19 : memref<1x200xi32, #tpu.memory_space<vmem>> -> memref<200xi32, #tpu.memory_space<vmem>>
    %dma_start3A_21 = arith.constant 0 : i32
    %dma_start3A_22 = tpu.memref_slice %dma_start3A_20[%dma_start3A_21] : memref<200xi32, #tpu.memory_space<vmem>> -> memref<104xi32, #tpu.memory_space<vmem>>
    %dma_start3A_23 = arith.constant 0 : i32
    %dma_start3A_24 = arith.constant 0 : i32
    %dma_start3A_25 = tpu.memref_slice %arg3[%dma_start3A_23, %dma_start3A_24] : memref<1000000x32xf32, #tpu.memory_space<hbm>> -> memref<1000000x32xf32, #tpu.memory_space<hbm>>
    %dma_start3A_26 = tpu.memref_slice %arg7[%dma_start3A_5] : memref<2x!tpu.dma_semaphore, #tpu.memory_space<semaphore_mem>> -> memref<1x!tpu.dma_semaphore, #tpu.memory_space<semaphore_mem>>
    %dma_start3A_27 = tpu.memref_squeeze %dma_start3A_26 : memref<1x!tpu.dma_semaphore, #tpu.memory_space<semaphore_mem>> -> memref<!tpu.dma_semaphore, #tpu.memory_space<semaphore_mem>>
    tpu.enqueue_indirect_dma source(%dma_start3A_25 : memref<1000000x32xf32, #tpu.memory_space<hbm>>) target(%dma_start3A_17 : memref<104x32xf32, #tpu.memory_space<vmem>>) offsets(%dma_start3A_22 : memref<104xi32, #tpu.memory_space<vmem>>) semaphore(%dma_start3A_27 : memref<!tpu.dma_semaphore, #tpu.memory_space<semaphore_mem>>)
    %dma_start3A_28 = arith.constant 0 : i32
    %dma_start3A_29 = arith.constant 0 : i32
    %dma_start3A_30 = arith.constant 0 : i32
    %dma_start3A_31 = arith.constant 0 : i32
    %dma_start3A_32 = arith.constant 0 : i32
    %dma_start3A_33 = arith.constant 0 : i32
    %dma_start3A_34 = arith.constant 0 : i32
    %dma_start3A_35 = tpu.memref_slice %arg6[%dma_start3A_29, %dma_start3A_32, %dma_start3A_33, %dma_start3A_34] : memref<2x4x200x32xf32, #tpu.memory_space<vmem>> -> memref<1x4x200x32xf32, #tpu.memory_space<vmem>>
    %dma_start3A_36 = tpu.memref_squeeze %dma_start3A_35 : memref<1x4x200x32xf32, #tpu.memory_space<vmem>> -> memref<4x200x32xf32, #tpu.memory_space<vmem>>
    %dma_start3A_37 = arith.constant 0 : i32
    %dma_start3A_38 = arith.constant 0 : i32
    %dma_start3A_39 = tpu.memref_slice %dma_start3A_36[%dma_start3A_30, %dma_start3A_37, %dma_start3A_38] : memref<4x200x32xf32, #tpu.memory_space<vmem>> -> memref<1x200x32xf32, #tpu.memory_space<vmem>>
    %dma_start3A_40 = tpu.memref_squeeze %dma_start3A_39 : memref<1x200x32xf32, #tpu.memory_space<vmem>> -> memref<200x32xf32, #tpu.memory_space<vmem>>
    %dma_start3A_41 = arith.constant 104 : i32
    %dma_start3A_42 = arith.constant 0 : i32
    %dma_start3A_43 = tpu.memref_slice %dma_start3A_40[%dma_start3A_41, %dma_start3A_42] : memref<200x32xf32, #tpu.memory_space<vmem>> -> memref<96x32xf32, #tpu.memory_space<vmem>>
    %dma_start3A_44 = arith.constant 0 : i32
    %dma_start3A_45 = tpu.memref_slice %arg5[%dma_start3A_28, %dma_start3A_44] : memref<128x200xi32, #tpu.memory_space<vmem>> -> memref<1x200xi32, #tpu.memory_space<vmem>>
    %dma_start3A_46 = tpu.memref_squeeze %dma_start3A_45 : memref<1x200xi32, #tpu.memory_space<vmem>> -> memref<200xi32, #tpu.memory_space<vmem>>
    %dma_start3A_47 = arith.constant 104 : i32
    %dma_start3A_48 = tpu.memref_slice %dma_start3A_46[%dma_start3A_47] : memref<200xi32, #tpu.memory_space<vmem>> -> memref<96xi32, #tpu.memory_space<vmem>>
    %dma_start3A_49 = arith.constant 0 : i32
    %dma_start3A_50 = arith.constant 0 : i32
    %dma_start3A_51 = tpu.memref_slice %arg3[%dma_start3A_49, %dma_start3A_50] : memref<1000000x32xf32, #tpu.memory_space<hbm>> -> memref<1000000x32xf32, #tpu.memory_space<hbm>>
    %dma_start3A_52 = tpu.memref_slice %arg7[%dma_start3A_31] : memref<2x!tpu.dma_semaphore, #tpu.memory_space<semaphore_mem>> -> memref<1x!tpu.dma_semaphore, #tpu.memory_space<semaphore_mem>>
    %dma_start3A_53 = tpu.memref_squeeze %dma_start3A_52 : memref<1x!tpu.dma_semaphore, #tpu.memory_space<semaphore_mem>> -> memref<!tpu.dma_semaphore, #tpu.memory_space<semaphore_mem>>
    tpu.enqueue_indirect_dma source(%dma_start3A_51 : memref<1000000x32xf32, #tpu.memory_space<hbm>>) target(%dma_start3A_43 : memref<96x32xf32, #tpu.memory_space<vmem>>) offsets(%dma_start3A_48 : memref<96xi32, #tpu.memory_space<vmem>>) semaphore(%dma_start3A_53 : memref<!tpu.dma_semaphore, #tpu.memory_space<semaphore_mem>>)
    %dma_start3A_54 = arith.constant 1 : i32
    %dma_start3A_55 = arith.constant 0 : i32
    %dma_start3A_56 = arith.constant 1 : i32
    %dma_start3A_57 = arith.constant 0 : i32
    %dma_start3A_58 = arith.constant 0 : i32
    %dma_start3A_59 = arith.constant 0 : i32
    %dma_start3A_60 = arith.constant 0 : i32
    %dma_start3A_61 = tpu.memref_slice %arg6[%dma_start3A_55, %dma_start3A_58, %dma_start3A_59, %dma_start3A_60] : memref<2x4x200x32xf32, #tpu.memory_space<vmem>> -> memref<1x4x200x32xf32, #tpu.memory_space<vmem>>
    %dma_start3A_62 = tpu.memref_squeeze %dma_start3A_61 : memref<1x4x200x32xf32, #tpu.memory_space<vmem>> -> memref<4x200x32xf32, #tpu.memory_space<vmem>>
    %dma_start3A_63 = arith.constant 0 : i32
    %dma_start3A_64 = arith.constant 0 : i32
    %dma_start3A_65 = tpu.memref_slice %dma_start3A_62[%dma_start3A_56, %dma_start3A_63, %dma_start3A_64] : memref<4x200x32xf32, #tpu.memory_space<vmem>> -> memref<1x200x32xf32, #tpu.memory_space<vmem>>
    %dma_start3A_66 = tpu.memref_squeeze %dma_start3A_65 : memref<1x200x32xf32, #tpu.memory_space<vmem>> -> memref<200x32xf32, #tpu.memory_space<vmem>>
    %dma_start3A_67 = arith.constant 0 : i32
    %dma_start3A_68 = arith.constant 0 : i32
    %dma_start3A_69 = tpu.memref_slice %dma_start3A_66[%dma_start3A_67, %dma_start3A_68] : memref<200x32xf32, #tpu.memory_space<vmem>> -> memref<104x32xf32, #tpu.memory_space<vmem>>
    %dma_start3A_70 = arith.constant 0 : i32
    %dma_start3A_71 = tpu.memref_slice %arg5[%dma_start3A_54, %dma_start3A_70] : memref<128x200xi32, #tpu.memory_space<vmem>> -> memref<1x200xi32, #tpu.memory_space<vmem>>
    %dma_start3A_72 = tpu.memref_squeeze %dma_start3A_71 : memref<1x200xi32, #tpu.memory_space<vmem>> -> memref<200xi32, #tpu.memory_space<vmem>>
    %dma_start3A_73 = arith.constant 0 : i32
    %dma_start3A_74 = tpu.memref_slice %dma_start3A_72[%dma_start3A_73] : memref<200xi32, #tpu.memory_space<vmem>> -> memref<104xi32, #tpu.memory_space<vmem>>
    %dma_start3A_75 = arith.constant 0 : i32
    %dma_start3A_76 = arith.constant 0 : i32
    %dma_start3A_77 = tpu.memref_slice %arg3[%dma_start3A_75, %dma_start3A_76] : memref<1000000x32xf32, #tpu.memory_space<hbm>> -> memref<1000000x32xf32, #tpu.memory_space<hbm>>
    %dma_start3A_78 = tpu.memref_slice %arg7[%dma_start3A_57] : memref<2x!tpu.dma_semaphore, #tpu.memory_space<semaphore_mem>> -> memref<1x!tpu.dma_semaphore, #tpu.memory_space<semaphore_mem>>
    %dma_start3A_79 = tpu.memref_squeeze %dma_start3A_78 : memref<1x!tpu.dma_semaphore, #tpu.memory_space<semaphore_mem>> -> memref<!tpu.dma_semaphore, #tpu.memory_space<semaphore_mem>>
    tpu.enqueue_indirect_dma source(%dma_start3A_77 : memref<1000000x32xf32, #tpu.memory_space<hbm>>) target(%dma_start3A_69 : memref<104x32xf32, #tpu.memory_space<vmem>>) offsets(%dma_start3A_74 : memref<104xi32, #tpu.memory_space<vmem>>) semaphore(%dma_start3A_79 : memref<!tpu.dma_semaphore, #tpu.memory_space<semaphore_mem>>)
    %dma_start3A_80 = arith.constant 1 : i32
    %dma_start3A_81 = arith.constant 0 : i32
    %dma_start3A_82 = arith.constant 1 : i32
    %dma_start3A_83 = arith.constant 0 : i32
    %dma_start3A_84 = arith.constant 0 : i32
    %dma_start3A_85 = arith.constant 0 : i32
    %dma_start3A_86 = arith.constant 0 : i32
    %dma_start3A_87 = tpu.memref_slice %arg6[%dma_start3A_81, %dma_start3A_84, %dma_start3A_85, %dma_start3A_86] : memref<2x4x200x32xf32, #tpu.memory_space<vmem>> -> memref<1x4x200x32xf32, #tpu.memory_space<vmem>>
    %dma_start3A_88 = tpu.memref_squeeze %dma_start3A_87 : memref<1x4x200x32xf32, #tpu.memory_space<vmem>> -> memref<4x200x32xf32, #tpu.memory_space<vmem>>
    %dma_start3A_89 = arith.constant 0 : i32
    %dma_start3A_90 = arith.constant 0 : i32
    %dma_start3A_91 = tpu.memref_slice %dma_start3A_88[%dma_start3A_82, %dma_start3A_89, %dma_start3A_90] : memref<4x200x32xf32, #tpu.memory_space<vmem>> -> memref<1x200x32xf32, #tpu.memory_space<vmem>>
    %dma_start3A_92 = tpu.memref_squeeze %dma_start3A_91 : memref<1x200x32xf32, #tpu.memory_space<vmem>> -> memref<200x32xf32, #tpu.memory_space<vmem>>
    %dma_start3A_93 = arith.constant 104 : i32
    %dma_start3A_94 = arith.constant 0 : i32
    %dma_start3A_95 = tpu.memref_slice %dma_start3A_92[%dma_start3A_93, %dma_start3A_94] : memref<200x32xf32, #tpu.memory_space<vmem>> -> memref<96x32xf32, #tpu.memory_space<vmem>>
    %dma_start3A_96 = arith.constant 0 : i32
    %dma_start3A_97 = tpu.memref_slice %arg5[%dma_start3A_80, %dma_start3A_96] : memref<128x200xi32, #tpu.memory_space<vmem>> -> memref<1x200xi32, #tpu.memory_space<vmem>>
    %dma_start3A_98 = tpu.memref_squeeze %dma_start3A_97 : memref<1x200xi32, #tpu.memory_space<vmem>> -> memref<200xi32, #tpu.memory_space<vmem>>
    %dma_start3A_99 = arith.constant 104 : i32
    %dma_start3A_100 = tpu.memref_slice %dma_start3A_98[%dma_start3A_99] : memref<200xi32, #tpu.memory_space<vmem>> -> memref<96xi32, #tpu.memory_space<vmem>>
    %dma_start3A_101 = arith.constant 0 : i32
    %dma_start3A_102 = arith.constant 0 : i32
    %dma_start3A_103 = tpu.memref_slice %arg3[%dma_start3A_101, %dma_start3A_102] : memref<1000000x32xf32, #tpu.memory_space<hbm>> -> memref<1000000x32xf32, #tpu.memory_space<hbm>>
    %dma_start3A_104 = tpu.memref_slice %arg7[%dma_start3A_83] : memref<2x!tpu.dma_semaphore, #tpu.memory_space<semaphore_mem>> -> memref<1x!tpu.dma_semaphore, #tpu.memory_space<semaphore_mem>>
    %dma_start3A_105 = tpu.memref_squeeze %dma_start3A_104 : memref<1x!tpu.dma_semaphore, #tpu.memory_space<semaphore_mem>> -> memref<!tpu.dma_semaphore, #tpu.memory_space<semaphore_mem>>
    tpu.enqueue_indirect_dma source(%dma_start3A_103 : memref<1000000x32xf32, #tpu.memory_space<hbm>>) target(%dma_start3A_95 : memref<96x32xf32, #tpu.memory_space<vmem>>) offsets(%dma_start3A_100 : memref<96xi32, #tpu.memory_space<vmem>>) semaphore(%dma_start3A_105 : memref<!tpu.dma_semaphore, #tpu.memory_space<semaphore_mem>>)
    %dma_start3A_106 = arith.constant 2 : i32
    %dma_start3A_107 = arith.constant 0 : i32
    %dma_start3A_108 = arith.constant 2 : i32
    %dma_start3A_109 = arith.constant 0 : i32
    %dma_start3A_110 = arith.constant 0 : i32
    %dma_start3A_111 = arith.constant 0 : i32
    %dma_start3A_112 = arith.constant 0 : i32
    %dma_start3A_113 = tpu.memref_slice %arg6[%dma_start3A_107, %dma_start3A_110, %dma_start3A_111, %dma_start3A_112] : memref<2x4x200x32xf32, #tpu.memory_space<vmem>> -> memref<1x4x200x32xf32, #tpu.memory_space<vmem>>
    %dma_start3A_114 = tpu.memref_squeeze %dma_start3A_113 : memref<1x4x200x32xf32, #tpu.memory_space<vmem>> -> memref<4x200x32xf32, #tpu.memory_space<vmem>>
    %dma_start3A_115 = arith.constant 0 : i32
    %dma_start3A_116 = arith.constant 0 : i32
    %dma_start3A_117 = tpu.memref_slice %dma_start3A_114[%dma_start3A_108, %dma_start3A_115, %dma_start3A_116] : memref<4x200x32xf32, #tpu.memory_space<vmem>> -> memref<1x200x32xf32, #tpu.memory_space<vmem>>
    %dma_start3A_118 = tpu.memref_squeeze %dma_start3A_117 : memref<1x200x32xf32, #tpu.memory_space<vmem>> -> memref<200x32xf32, #tpu.memory_space<vmem>>
    %dma_start3A_119 = arith.constant 0 : i32
    %dma_start3A_120 = arith.constant 0 : i32
    %dma_start3A_121 = tpu.memref_slice %dma_start3A_118[%dma_start3A_119, %dma_start3A_120] : memref<200x32xf32, #tpu.memory_space<vmem>> -> memref<104x32xf32, #tpu.memory_space<vmem>>
    %dma_start3A_122 = arith.constant 0 : i32
    %dma_start3A_123 = tpu.memref_slice %arg5[%dma_start3A_106, %dma_start3A_122] : memref<128x200xi32, #tpu.memory_space<vmem>> -> memref<1x200xi32, #tpu.memory_space<vmem>>
    %dma_start3A_124 = tpu.memref_squeeze %dma_start3A_123 : memref<1x200xi32, #tpu.memory_space<vmem>> -> memref<200xi32, #tpu.memory_space<vmem>>
    %dma_start3A_125 = arith.constant 0 : i32
    %dma_start3A_126 = tpu.memref_slice %dma_start3A_124[%dma_start3A_125] : memref<200xi32, #tpu.memory_space<vmem>> -> memref<104xi32, #tpu.memory_space<vmem>>
    %dma_start3A_127 = arith.constant 0 : i32
    %dma_start3A_128 = arith.constant 0 : i32
    %dma_start3A_129 = tpu.memref_slice %arg3[%dma_start3A_127, %dma_start3A_128] : memref<1000000x32xf32, #tpu.memory_space<hbm>> -> memref<1000000x32xf32, #tpu.memory_space<hbm>>
    %dma_start3A_130 = tpu.memref_slice %arg7[%dma_start3A_109] : memref<2x!tpu.dma_semaphore, #tpu.memory_space<semaphore_mem>> -> memref<1x!tpu.dma_semaphore, #tpu.memory_space<semaphore_mem>>
    %dma_start3A_131 = tpu.memref_squeeze %dma_start3A_130 : memref<1x!tpu.dma_semaphore, #tpu.memory_space<semaphore_mem>> -> memref<!tpu.dma_semaphore, #tpu.memory_space<semaphore_mem>>
    tpu.enqueue_indirect_dma source(%dma_start3A_129 : memref<1000000x32xf32, #tpu.memory_space<hbm>>) target(%dma_start3A_121 : memref<104x32xf32, #tpu.memory_space<vmem>>) offsets(%dma_start3A_126 : memref<104xi32, #tpu.memory_space<vmem>>) semaphore(%dma_start3A_131 : memref<!tpu.dma_semaphore, #tpu.memory_space<semaphore_mem>>)
    %dma_start3A_132 = arith.constant 2 : i32
    %dma_start3A_133 = arith.constant 0 : i32
    %dma_start3A_134 = arith.constant 2 : i32
    %dma_start3A_135 = arith.constant 0 : i32
    %dma_start3A_136 = arith.constant 0 : i32
    %dma_start3A_137 = arith.constant 0 : i32
    %dma_start3A_138 = arith.constant 0 : i32
    %dma_start3A_139 = tpu.memref_slice %arg6[%dma_start3A_133, %dma_start3A_136, %dma_start3A_137, %dma_start3A_138] : memref<2x4x200x32xf32, #tpu.memory_space<vmem>> -> memref<1x4x200x32xf32, #tpu.memory_space<vmem>>
    %dma_start3A_140 = tpu.memref_squeeze %dma_start3A_139 : memref<1x4x200x32xf32, #tpu.memory_space<vmem>> -> memref<4x200x32xf32, #tpu.memory_space<vmem>>
    %dma_start3A_141 = arith.constant 0 : i32
    %dma_start3A_142 = arith.constant 0 : i32
    %dma_start3A_143 = tpu.memref_slice %dma_start3A_140[%dma_start3A_134, %dma_start3A_141, %dma_start3A_142] : memref<4x200x32xf32, #tpu.memory_space<vmem>> -> memref<1x200x32xf32, #tpu.memory_space<vmem>>
    %dma_start3A_144 = tpu.memref_squeeze %dma_start3A_143 : memref<1x200x32xf32, #tpu.memory_space<vmem>> -> memref<200x32xf32, #tpu.memory_space<vmem>>
    %dma_start3A_145 = arith.constant 104 : i32
    %dma_start3A_146 = arith.constant 0 : i32
    %dma_start3A_147 = tpu.memref_slice %dma_start3A_144[%dma_start3A_145, %dma_start3A_146] : memref<200x32xf32, #tpu.memory_space<vmem>> -> memref<96x32xf32, #tpu.memory_space<vmem>>
    %dma_start3A_148 = arith.constant 0 : i32
    %dma_start3A_149 = tpu.memref_slice %arg5[%dma_start3A_132, %dma_start3A_148] : memref<128x200xi32, #tpu.memory_space<vmem>> -> memref<1x200xi32, #tpu.memory_space<vmem>>
    %dma_start3A_150 = tpu.memref_squeeze %dma_start3A_149 : memref<1x200xi32, #tpu.memory_space<vmem>> -> memref<200xi32, #tpu.memory_space<vmem>>
    %dma_start3A_151 = arith.constant 104 : i32
    %dma_start3A_152 = tpu.memref_slice %dma_start3A_150[%dma_start3A_151] : memref<200xi32, #tpu.memory_space<vmem>> -> memref<96xi32, #tpu.memory_space<vmem>>
    %dma_start3A_153 = arith.constant 0 : i32
    %dma_start3A_154 = arith.constant 0 : i32
    %dma_start3A_155 = tpu.memref_slice %arg3[%dma_start3A_153, %dma_start3A_154] : memref<1000000x32xf32, #tpu.memory_space<hbm>> -> memref<1000000x32xf32, #tpu.memory_space<hbm>>
    %dma_start3A_156 = tpu.memref_slice %arg7[%dma_start3A_135] : memref<2x!tpu.dma_semaphore, #tpu.memory_space<semaphore_mem>> -> memref<1x!tpu.dma_semaphore, #tpu.memory_space<semaphore_mem>>
    %dma_start3A_157 = tpu.memref_squeeze %dma_start3A_156 : memref<1x!tpu.dma_semaphore, #tpu.memory_space<semaphore_mem>> -> memref<!tpu.dma_semaphore, #tpu.memory_space<semaphore_mem>>
    tpu.enqueue_indirect_dma source(%dma_start3A_155 : memref<1000000x32xf32, #tpu.memory_space<hbm>>) target(%dma_start3A_147 : memref<96x32xf32, #tpu.memory_space<vmem>>) offsets(%dma_start3A_152 : memref<96xi32, #tpu.memory_space<vmem>>) semaphore(%dma_start3A_157 : memref<!tpu.dma_semaphore, #tpu.memory_space<semaphore_mem>>)
    %dma_start3A_158 = arith.constant 3 : i32
    %dma_start3A_159 = arith.constant 0 : i32
    %dma_start3A_160 = arith.constant 3 : i32
    %dma_start3A_161 = arith.constant 0 : i32
    %dma_start3A_162 = arith.constant 0 : i32
    %dma_start3A_163 = arith.constant 0 : i32
    %dma_start3A_164 = arith.constant 0 : i32
    %dma_start3A_165 = tpu.memref_slice %arg6[%dma_start3A_159, %dma_start3A_162, %dma_start3A_163, %dma_start3A_164] : memref<2x4x200x32xf32, #tpu.memory_space<vmem>> -> memref<1x4x200x32xf32, #tpu.memory_space<vmem>>
    %dma_start3A_166 = tpu.memref_squeeze %dma_start3A_165 : memref<1x4x200x32xf32, #tpu.memory_space<vmem>> -> memref<4x200x32xf32, #tpu.memory_space<vmem>>
    %dma_start3A_167 = arith.constant 0 : i32
    %dma_start3A_168 = arith.constant 0 : i32
    %dma_start3A_169 = tpu.memref_slice %dma_start3A_166[%dma_start3A_160, %dma_start3A_167, %dma_start3A_168] : memref<4x200x32xf32, #tpu.memory_space<vmem>> -> memref<1x200x32xf32, #tpu.memory_space<vmem>>
    %dma_start3A_170 = tpu.memref_squeeze %dma_start3A_169 : memref<1x200x32xf32, #tpu.memory_space<vmem>> -> memref<200x32xf32, #tpu.memory_space<vmem>>
    %dma_start3A_171 = arith.constant 0 : i32
    %dma_start3A_172 = arith.constant 0 : i32
    %dma_start3A_173 = tpu.memref_slice %dma_start3A_170[%dma_start3A_171, %dma_start3A_172] : memref<200x32xf32, #tpu.memory_space<vmem>> -> memref<104x32xf32, #tpu.memory_space<vmem>>
    %dma_start3A_174 = arith.constant 0 : i32
    %dma_start3A_175 = tpu.memref_slice %arg5[%dma_start3A_158, %dma_start3A_174] : memref<128x200xi32, #tpu.memory_space<vmem>> -> memref<1x200xi32, #tpu.memory_space<vmem>>
    %dma_start3A_176 = tpu.memref_squeeze %dma_start3A_175 : memref<1x200xi32, #tpu.memory_space<vmem>> -> memref<200xi32, #tpu.memory_space<vmem>>
    %dma_start3A_177 = arith.constant 0 : i32
    %dma_start3A_178 = tpu.memref_slice %dma_start3A_176[%dma_start3A_177] : memref<200xi32, #tpu.memory_space<vmem>> -> memref<104xi32, #tpu.memory_space<vmem>>
    %dma_start3A_179 = arith.constant 0 : i32
    %dma_start3A_180 = arith.constant 0 : i32
    %dma_start3A_181 = tpu.memref_slice %arg3[%dma_start3A_179, %dma_start3A_180] : memref<1000000x32xf32, #tpu.memory_space<hbm>> -> memref<1000000x32xf32, #tpu.memory_space<hbm>>
    %dma_start3A_182 = tpu.memref_slice %arg7[%dma_start3A_161] : memref<2x!tpu.dma_semaphore, #tpu.memory_space<semaphore_mem>> -> memref<1x!tpu.dma_semaphore, #tpu.memory_space<semaphore_mem>>
    %dma_start3A_183 = tpu.memref_squeeze %dma_start3A_182 : memref<1x!tpu.dma_semaphore, #tpu.memory_space<semaphore_mem>> -> memref<!tpu.dma_semaphore, #tpu.memory_space<semaphore_mem>>
    tpu.enqueue_indirect_dma source(%dma_start3A_181 : memref<1000000x32xf32, #tpu.memory_space<hbm>>) target(%dma_start3A_173 : memref<104x32xf32, #tpu.memory_space<vmem>>) offsets(%dma_start3A_178 : memref<104xi32, #tpu.memory_space<vmem>>) semaphore(%dma_start3A_183 : memref<!tpu.dma_semaphore, #tpu.memory_space<semaphore_mem>>)
    %dma_start3A_184 = arith.constant 3 : i32
    %dma_start3A_185 = arith.constant 0 : i32
    %dma_start3A_186 = arith.constant 3 : i32
    %dma_start3A_187 = arith.constant 0 : i32
    %dma_start3A_188 = arith.constant 0 : i32
    %dma_start3A_189 = arith.constant 0 : i32
    %dma_start3A_190 = arith.constant 0 : i32
    %dma_start3A_191 = tpu.memref_slice %arg6[%dma_start3A_185, %dma_start3A_188, %dma_start3A_189, %dma_start3A_190] : memref<2x4x200x32xf32, #tpu.memory_space<vmem>> -> memref<1x4x200x32xf32, #tpu.memory_space<vmem>>
    %dma_start3A_192 = tpu.memref_squeeze %dma_start3A_191 : memref<1x4x200x32xf32, #tpu.memory_space<vmem>> -> memref<4x200x32xf32, #tpu.memory_space<vmem>>
    %dma_start3A_193 = arith.constant 0 : i32
    %dma_start3A_194 = arith.constant 0 : i32
    %dma_start3A_195 = tpu.memref_slice %dma_start3A_192[%dma_start3A_186, %dma_start3A_193, %dma_start3A_194] : memref<4x200x32xf32, #tpu.memory_space<vmem>> -> memref<1x200x32xf32, #tpu.memory_space<vmem>>
    %dma_start3A_196 = tpu.memref_squeeze %dma_start3A_195 : memref<1x200x32xf32, #tpu.memory_space<vmem>> -> memref<200x32xf32, #tpu.memory_space<vmem>>
    %dma_start3A_197 = arith.constant 104 : i32
    %dma_start3A_198 = arith.constant 0 : i32
    %dma_start3A_199 = tpu.memref_slice %dma_start3A_196[%dma_start3A_197, %dma_start3A_198] : memref<200x32xf32, #tpu.memory_space<vmem>> -> memref<96x32xf32, #tpu.memory_space<vmem>>
    %dma_start3A_200 = arith.constant 0 : i32
    %dma_start3A_201 = tpu.memref_slice %arg5[%dma_start3A_184, %dma_start3A_200] : memref<128x200xi32, #tpu.memory_space<vmem>> -> memref<1x200xi32, #tpu.memory_space<vmem>>
    %dma_start3A_202 = tpu.memref_squeeze %dma_start3A_201 : memref<1x200xi32, #tpu.memory_space<vmem>> -> memref<200xi32, #tpu.memory_space<vmem>>
    %dma_start3A_203 = arith.constant 104 : i32
    %dma_start3A_204 = tpu.memref_slice %dma_start3A_202[%dma_start3A_203] : memref<200xi32, #tpu.memory_space<vmem>> -> memref<96xi32, #tpu.memory_space<vmem>>
    %dma_start3A_205 = arith.constant 0 : i32
    %dma_start3A_206 = arith.constant 0 : i32
    %dma_start3A_207 = tpu.memref_slice %arg3[%dma_start3A_205, %dma_start3A_206] : memref<1000000x32xf32, #tpu.memory_space<hbm>> -> memref<1000000x32xf32, #tpu.memory_space<hbm>>
    %dma_start3A_208 = tpu.memref_slice %arg7[%dma_start3A_187] : memref<2x!tpu.dma_semaphore, #tpu.memory_space<semaphore_mem>> -> memref<1x!tpu.dma_semaphore, #tpu.memory_space<semaphore_mem>>
    %dma_start3A_209 = tpu.memref_squeeze %dma_start3A_208 : memref<1x!tpu.dma_semaphore, #tpu.memory_space<semaphore_mem>> -> memref<!tpu.dma_semaphore, #tpu.memory_space<semaphore_mem>>
    tpu.enqueue_indirect_dma source(%dma_start3A_207 : memref<1000000x32xf32, #tpu.memory_space<hbm>>) target(%dma_start3A_199 : memref<96x32xf32, #tpu.memory_space<vmem>>) offsets(%dma_start3A_204 : memref<96xi32, #tpu.memory_space<vmem>>) semaphore(%dma_start3A_209 : memref<!tpu.dma_semaphore, #tpu.memory_space<semaphore_mem>>)
    %dma_start3A_210 = arith.constant 4 : i32
    %dma_start3A_211 = arith.constant 1 : i32
    %dma_start3A_212 = arith.constant 0 : i32
    %dma_start3A_213 = arith.constant 1 : i32
    %dma_start3A_214 = arith.constant 0 : i32
    %dma_start3A_215 = arith.constant 0 : i32
    %dma_start3A_216 = arith.constant 0 : i32
    %dma_start3A_217 = tpu.memref_slice %arg6[%dma_start3A_211, %dma_start3A_214, %dma_start3A_215, %dma_start3A_216] : memref<2x4x200x32xf32, #tpu.memory_space<vmem>> -> memref<1x4x200x32xf32, #tpu.memory_space<vmem>>
    %dma_start3A_218 = tpu.memref_squeeze %dma_start3A_217 : memref<1x4x200x32xf32, #tpu.memory_space<vmem>> -> memref<4x200x32xf32, #tpu.memory_space<vmem>>
    %dma_start3A_219 = arith.constant 0 : i32
    %dma_start3A_220 = arith.constant 0 : i32
    %dma_start3A_221 = tpu.memref_slice %dma_start3A_218[%dma_start3A_212, %dma_start3A_219, %dma_start3A_220] : memref<4x200x32xf32, #tpu.memory_space<vmem>> -> memref<1x200x32xf32, #tpu.memory_space<vmem>>
    %dma_start3A_222 = tpu.memref_squeeze %dma_start3A_221 : memref<1x200x32xf32, #tpu.memory_space<vmem>> -> memref<200x32xf32, #tpu.memory_space<vmem>>
    %dma_start3A_223 = arith.constant 0 : i32
    %dma_start3A_224 = arith.constant 0 : i32
    %dma_start3A_225 = tpu.memref_slice %dma_start3A_222[%dma_start3A_223, %dma_start3A_224] : memref<200x32xf32, #tpu.memory_space<vmem>> -> memref<104x32xf32, #tpu.memory_space<vmem>>
    %dma_start3A_226 = arith.constant 0 : i32
    %dma_start3A_227 = tpu.memref_slice %arg5[%dma_start3A_210, %dma_start3A_226] : memref<128x200xi32, #tpu.memory_space<vmem>> -> memref<1x200xi32, #tpu.memory_space<vmem>>
    %dma_start3A_228 = tpu.memref_squeeze %dma_start3A_227 : memref<1x200xi32, #tpu.memory_space<vmem>> -> memref<200xi32, #tpu.memory_space<vmem>>
    %dma_start3A_229 = arith.constant 0 : i32
    %dma_start3A_230 = tpu.memref_slice %dma_start3A_228[%dma_start3A_229] : memref<200xi32, #tpu.memory_space<vmem>> -> memref<104xi32, #tpu.memory_space<vmem>>
    %dma_start3A_231 = arith.constant 0 : i32
    %dma_start3A_232 = arith.constant 0 : i32
    %dma_start3A_233 = tpu.memref_slice %arg3[%dma_start3A_231, %dma_start3A_232] : memref<1000000x32xf32, #tpu.memory_space<hbm>> -> memref<1000000x32xf32, #tpu.memory_space<hbm>>
    %dma_start3A_234 = tpu.memref_slice %arg7[%dma_start3A_213] : memref<2x!tpu.dma_semaphore, #tpu.memory_space<semaphore_mem>> -> memref<1x!tpu.dma_semaphore, #tpu.memory_space<semaphore_mem>>
    %dma_start3A_235 = tpu.memref_squeeze %dma_start3A_234 : memref<1x!tpu.dma_semaphore, #tpu.memory_space<semaphore_mem>> -> memref<!tpu.dma_semaphore, #tpu.memory_space<semaphore_mem>>
    tpu.enqueue_indirect_dma source(%dma_start3A_233 : memref<1000000x32xf32, #tpu.memory_space<hbm>>) target(%dma_start3A_225 : memref<104x32xf32, #tpu.memory_space<vmem>>) offsets(%dma_start3A_230 : memref<104xi32, #tpu.memory_space<vmem>>) semaphore(%dma_start3A_235 : memref<!tpu.dma_semaphore, #tpu.memory_space<semaphore_mem>>)
    %dma_start3A_236 = arith.constant 4 : i32
    %dma_start3A_237 = arith.constant 1 : i32
    %dma_start3A_238 = arith.constant 0 : i32
    %dma_start3A_239 = arith.constant 1 : i32
    %dma_start3A_240 = arith.constant 0 : i32
    %dma_start3A_241 = arith.constant 0 : i32
    %dma_start3A_242 = arith.constant 0 : i32
    %dma_start3A_243 = tpu.memref_slice %arg6[%dma_start3A_237, %dma_start3A_240, %dma_start3A_241, %dma_start3A_242] : memref<2x4x200x32xf32, #tpu.memory_space<vmem>> -> memref<1x4x200x32xf32, #tpu.memory_space<vmem>>
    %dma_start3A_244 = tpu.memref_squeeze %dma_start3A_243 : memref<1x4x200x32xf32, #tpu.memory_space<vmem>> -> memref<4x200x32xf32, #tpu.memory_space<vmem>>
    %dma_start3A_245 = arith.constant 0 : i32
    %dma_start3A_246 = arith.constant 0 : i32
    %dma_start3A_247 = tpu.memref_slice %dma_start3A_244[%dma_start3A_238, %dma_start3A_245, %dma_start3A_246] : memref<4x200x32xf32, #tpu.memory_space<vmem>> -> memref<1x200x32xf32, #tpu.memory_space<vmem>>
    %dma_start3A_248 = tpu.memref_squeeze %dma_start3A_247 : memref<1x200x32xf32, #tpu.memory_space<vmem>> -> memref<200x32xf32, #tpu.memory_space<vmem>>
    %dma_start3A_249 = arith.constant 104 : i32
    %dma_start3A_250 = arith.constant 0 : i32
    %dma_start3A_251 = tpu.memref_slice %dma_start3A_248[%dma_start3A_249, %dma_start3A_250] : memref<200x32xf32, #tpu.memory_space<vmem>> -> memref<96x32xf32, #tpu.memory_space<vmem>>
    %dma_start3A_252 = arith.constant 0 : i32
    %dma_start3A_253 = tpu.memref_slice %arg5[%dma_start3A_236, %dma_start3A_252] : memref<128x200xi32, #tpu.memory_space<vmem>> -> memref<1x200xi32, #tpu.memory_space<vmem>>
    %dma_start3A_254 = tpu.memref_squeeze %dma_start3A_253 : memref<1x200xi32, #tpu.memory_space<vmem>> -> memref<200xi32, #tpu.memory_space<vmem>>
    %dma_start3A_255 = arith.constant 104 : i32
    %dma_start3A_256 = tpu.memref_slice %dma_start3A_254[%dma_start3A_255] : memref<200xi32, #tpu.memory_space<vmem>> -> memref<96xi32, #tpu.memory_space<vmem>>
    %dma_start3A_257 = arith.constant 0 : i32
    %dma_start3A_258 = arith.constant 0 : i32
    %dma_start3A_259 = tpu.memref_slice %arg3[%dma_start3A_257, %dma_start3A_258] : memref<1000000x32xf32, #tpu.memory_space<hbm>> -> memref<1000000x32xf32, #tpu.memory_space<hbm>>
    %dma_start3A_260 = tpu.memref_slice %arg7[%dma_start3A_239] : memref<2x!tpu.dma_semaphore, #tpu.memory_space<semaphore_mem>> -> memref<1x!tpu.dma_semaphore, #tpu.memory_space<semaphore_mem>>
    %dma_start3A_261 = tpu.memref_squeeze %dma_start3A_260 : memref<1x!tpu.dma_semaphore, #tpu.memory_space<semaphore_mem>> -> memref<!tpu.dma_semaphore, #tpu.memory_space<semaphore_mem>>
    tpu.enqueue_indirect_dma source(%dma_start3A_259 : memref<1000000x32xf32, #tpu.memory_space<hbm>>) target(%dma_start3A_251 : memref<96x32xf32, #tpu.memory_space<vmem>>) offsets(%dma_start3A_256 : memref<96xi32, #tpu.memory_space<vmem>>) semaphore(%dma_start3A_261 : memref<!tpu.dma_semaphore, #tpu.memory_space<semaphore_mem>>)
    %dma_start3A_262 = arith.constant 5 : i32
    %dma_start3A_263 = arith.constant 1 : i32
    %dma_start3A_264 = arith.constant 1 : i32
    %dma_start3A_265 = arith.constant 1 : i32
    %dma_start3A_266 = arith.constant 0 : i32
    %dma_start3A_267 = arith.constant 0 : i32
    %dma_start3A_268 = arith.constant 0 : i32
    %dma_start3A_269 = tpu.memref_slice %arg6[%dma_start3A_263, %dma_start3A_266, %dma_start3A_267, %dma_start3A_268] : memref<2x4x200x32xf32, #tpu.memory_space<vmem>> -> memref<1x4x200x32xf32, #tpu.memory_space<vmem>>
    %dma_start3A_270 = tpu.memref_squeeze %dma_start3A_269 : memref<1x4x200x32xf32, #tpu.memory_space<vmem>> -> memref<4x200x32xf32, #tpu.memory_space<vmem>>
    %dma_start3A_271 = arith.constant 0 : i32
    %dma_start3A_272 = arith.constant 0 : i32
    %dma_start3A_273 = tpu.memref_slice %dma_start3A_270[%dma_start3A_264, %dma_start3A_271, %dma_start3A_272] : memref<4x200x32xf32, #tpu.memory_space<vmem>> -> memref<1x200x32xf32, #tpu.memory_space<vmem>>
    %dma_start3A_274 = tpu.memref_squeeze %dma_start3A_273 : memref<1x200x32xf32, #tpu.memory_space<vmem>> -> memref<200x32xf32, #tpu.memory_space<vmem>>
    %dma_start3A_275 = arith.constant 0 : i32
    %dma_start3A_276 = arith.constant 0 : i32
    %dma_start3A_277 = tpu.memref_slice %dma_start3A_274[%dma_start3A_275, %dma_start3A_276] : memref<200x32xf32, #tpu.memory_space<vmem>> -> memref<104x32xf32, #tpu.memory_space<vmem>>
    %dma_start3A_278 = arith.constant 0 : i32
    %dma_start3A_279 = tpu.memref_slice %arg5[%dma_start3A_262, %dma_start3A_278] : memref<128x200xi32, #tpu.memory_space<vmem>> -> memref<1x200xi32, #tpu.memory_space<vmem>>
    %dma_start3A_280 = tpu.memref_squeeze %dma_start3A_279 : memref<1x200xi32, #tpu.memory_space<vmem>> -> memref<200xi32, #tpu.memory_space<vmem>>
    %dma_start3A_281 = arith.constant 0 : i32
    %dma_start3A_282 = tpu.memref_slice %dma_start3A_280[%dma_start3A_281] : memref<200xi32, #tpu.memory_space<vmem>> -> memref<104xi32, #tpu.memory_space<vmem>>
    %dma_start3A_283 = arith.constant 0 : i32
    %dma_start3A_284 = arith.constant 0 : i32
    %dma_start3A_285 = tpu.memref_slice %arg3[%dma_start3A_283, %dma_start3A_284] : memref<1000000x32xf32, #tpu.memory_space<hbm>> -> memref<1000000x32xf32, #tpu.memory_space<hbm>>
    %dma_start3A_286 = tpu.memref_slice %arg7[%dma_start3A_265] : memref<2x!tpu.dma_semaphore, #tpu.memory_space<semaphore_mem>> -> memref<1x!tpu.dma_semaphore, #tpu.memory_space<semaphore_mem>>
    %dma_start3A_287 = tpu.memref_squeeze %dma_start3A_286 : memref<1x!tpu.dma_semaphore, #tpu.memory_space<semaphore_mem>> -> memref<!tpu.dma_semaphore, #tpu.memory_space<semaphore_mem>>
    tpu.enqueue_indirect_dma source(%dma_start3A_285 : memref<1000000x32xf32, #tpu.memory_space<hbm>>) target(%dma_start3A_277 : memref<104x32xf32, #tpu.memory_space<vmem>>) offsets(%dma_start3A_282 : memref<104xi32, #tpu.memory_space<vmem>>) semaphore(%dma_start3A_287 : memref<!tpu.dma_semaphore, #tpu.memory_space<semaphore_mem>>)
    %dma_start3A_288 = arith.constant 5 : i32
    %dma_start3A_289 = arith.constant 1 : i32
    %dma_start3A_290 = arith.constant 1 : i32
    %dma_start3A_291 = arith.constant 1 : i32
    %dma_start3A_292 = arith.constant 0 : i32
    %dma_start3A_293 = arith.constant 0 : i32
    %dma_start3A_294 = arith.constant 0 : i32
    %dma_start3A_295 = tpu.memref_slice %arg6[%dma_start3A_289, %dma_start3A_292, %dma_start3A_293, %dma_start3A_294] : memref<2x4x200x32xf32, #tpu.memory_space<vmem>> -> memref<1x4x200x32xf32, #tpu.memory_space<vmem>>
    %dma_start3A_296 = tpu.memref_squeeze %dma_start3A_295 : memref<1x4x200x32xf32, #tpu.memory_space<vmem>> -> memref<4x200x32xf32, #tpu.memory_space<vmem>>
    %dma_start3A_297 = arith.constant 0 : i32
    %dma_start3A_298 = arith.constant 0 : i32
    %dma_start3A_299 = tpu.memref_slice %dma_start3A_296[%dma_start3A_290, %dma_start3A_297, %dma_start3A_298] : memref<4x200x32xf32, #tpu.memory_space<vmem>> -> memref<1x200x32xf32, #tpu.memory_space<vmem>>
    %dma_start3A_300 = tpu.memref_squeeze %dma_start3A_299 : memref<1x200x32xf32, #tpu.memory_space<vmem>> -> memref<200x32xf32, #tpu.memory_space<vmem>>
    %dma_start3A_301 = arith.constant 104 : i32
    %dma_start3A_302 = arith.constant 0 : i32
    %dma_start3A_303 = tpu.memref_slice %dma_start3A_300[%dma_start3A_301, %dma_start3A_302] : memref<200x32xf32, #tpu.memory_space<vmem>> -> memref<96x32xf32, #tpu.memory_space<vmem>>
    %dma_start3A_304 = arith.constant 0 : i32
    %dma_start3A_305 = tpu.memref_slice %arg5[%dma_start3A_288, %dma_start3A_304] : memref<128x200xi32, #tpu.memory_space<vmem>> -> memref<1x200xi32, #tpu.memory_space<vmem>>
    %dma_start3A_306 = tpu.memref_squeeze %dma_start3A_305 : memref<1x200xi32, #tpu.memory_space<vmem>> -> memref<200xi32, #tpu.memory_space<vmem>>
    %dma_start3A_307 = arith.constant 104 : i32
    %dma_start3A_308 = tpu.memref_slice %dma_start3A_306[%dma_start3A_307] : memref<200xi32, #tpu.memory_space<vmem>> -> memref<96xi32, #tpu.memory_space<vmem>>
    %dma_start3A_309 = arith.constant 0 : i32
    %dma_start3A_310 = arith.constant 0 : i32
    %dma_start3A_311 = tpu.memref_slice %arg3[%dma_start3A_309, %dma_start3A_310] : memref<1000000x32xf32, #tpu.memory_space<hbm>> -> memref<1000000x32xf32, #tpu.memory_space<hbm>>
    %dma_start3A_312 = tpu.memref_slice %arg7[%dma_start3A_291] : memref<2x!tpu.dma_semaphore, #tpu.memory_space<semaphore_mem>> -> memref<1x!tpu.dma_semaphore, #tpu.memory_space<semaphore_mem>>
    %dma_start3A_313 = tpu.memref_squeeze %dma_start3A_312 : memref<1x!tpu.dma_semaphore, #tpu.memory_space<semaphore_mem>> -> memref<!tpu.dma_semaphore, #tpu.memory_space<semaphore_mem>>
    tpu.enqueue_indirect_dma source(%dma_start3A_311 : memref<1000000x32xf32, #tpu.memory_space<hbm>>) target(%dma_start3A_303 : memref<96x32xf32, #tpu.memory_space<vmem>>) offsets(%dma_start3A_308 : memref<96xi32, #tpu.memory_space<vmem>>) semaphore(%dma_start3A_313 : memref<!tpu.dma_semaphore, #tpu.memory_space<semaphore_mem>>)
    %dma_start3A_314 = arith.constant 6 : i32
    %dma_start3A_315 = arith.constant 1 : i32
    %dma_start3A_316 = arith.constant 2 : i32
    %dma_start3A_317 = arith.constant 1 : i32
    %dma_start3A_318 = arith.constant 0 : i32
    %dma_start3A_319 = arith.constant 0 : i32
    %dma_start3A_320 = arith.constant 0 : i32
    %dma_start3A_321 = tpu.memref_slice %arg6[%dma_start3A_315, %dma_start3A_318, %dma_start3A_319, %dma_start3A_320] : memref<2x4x200x32xf32, #tpu.memory_space<vmem>> -> memref<1x4x200x32xf32, #tpu.memory_space<vmem>>
    %dma_start3A_322 = tpu.memref_squeeze %dma_start3A_321 : memref<1x4x200x32xf32, #tpu.memory_space<vmem>> -> memref<4x200x32xf32, #tpu.memory_space<vmem>>
    %dma_start3A_323 = arith.constant 0 : i32
    %dma_start3A_324 = arith.constant 0 : i32
    %dma_start3A_325 = tpu.memref_slice %dma_start3A_322[%dma_start3A_316, %dma_start3A_323, %dma_start3A_324] : memref<4x200x32xf32, #tpu.memory_space<vmem>> -> memref<1x200x32xf32, #tpu.memory_space<vmem>>
    %dma_start3A_326 = tpu.memref_squeeze %dma_start3A_325 : memref<1x200x32xf32, #tpu.memory_space<vmem>> -> memref<200x32xf32, #tpu.memory_space<vmem>>
    %dma_start3A_327 = arith.constant 0 : i32
    %dma_start3A_328 = arith.constant 0 : i32
    %dma_start3A_329 = tpu.memref_slice %dma_start3A_326[%dma_start3A_327, %dma_start3A_328] : memref<200x32xf32, #tpu.memory_space<vmem>> -> memref<104x32xf32, #tpu.memory_space<vmem>>
    %dma_start3A_330 = arith.constant 0 : i32
    %dma_start3A_331 = tpu.memref_slice %arg5[%dma_start3A_314, %dma_start3A_330] : memref<128x200xi32, #tpu.memory_space<vmem>> -> memref<1x200xi32, #tpu.memory_space<vmem>>
    %dma_start3A_332 = tpu.memref_squeeze %dma_start3A_331 : memref<1x200xi32, #tpu.memory_space<vmem>> -> memref<200xi32, #tpu.memory_space<vmem>>
    %dma_start3A_333 = arith.constant 0 : i32
    %dma_start3A_334 = tpu.memref_slice %dma_start3A_332[%dma_start3A_333] : memref<200xi32, #tpu.memory_space<vmem>> -> memref<104xi32, #tpu.memory_space<vmem>>
    %dma_start3A_335 = arith.constant 0 : i32
    %dma_start3A_336 = arith.constant 0 : i32
    %dma_start3A_337 = tpu.memref_slice %arg3[%dma_start3A_335, %dma_start3A_336] : memref<1000000x32xf32, #tpu.memory_space<hbm>> -> memref<1000000x32xf32, #tpu.memory_space<hbm>>
    %dma_start3A_338 = tpu.memref_slice %arg7[%dma_start3A_317] : memref<2x!tpu.dma_semaphore, #tpu.memory_space<semaphore_mem>> -> memref<1x!tpu.dma_semaphore, #tpu.memory_space<semaphore_mem>>
    %dma_start3A_339 = tpu.memref_squeeze %dma_start3A_338 : memref<1x!tpu.dma_semaphore, #tpu.memory_space<semaphore_mem>> -> memref<!tpu.dma_semaphore, #tpu.memory_space<semaphore_mem>>
    tpu.enqueue_indirect_dma source(%dma_start3A_337 : memref<1000000x32xf32, #tpu.memory_space<hbm>>) target(%dma_start3A_329 : memref<104x32xf32, #tpu.memory_space<vmem>>) offsets(%dma_start3A_334 : memref<104xi32, #tpu.memory_space<vmem>>) semaphore(%dma_start3A_339 : memref<!tpu.dma_semaphore, #tpu.memory_space<semaphore_mem>>)
    %dma_start3A_340 = arith.constant 6 : i32
    %dma_start3A_341 = arith.constant 1 : i32
    %dma_start3A_342 = arith.constant 2 : i32
    %dma_start3A_343 = arith.constant 1 : i32
    %dma_start3A_344 = arith.constant 0 : i32
    %dma_start3A_345 = arith.constant 0 : i32
    %dma_start3A_346 = arith.constant 0 : i32
    %dma_start3A_347 = tpu.memref_slice %arg6[%dma_start3A_341, %dma_start3A_344, %dma_start3A_345, %dma_start3A_346] : memref<2x4x200x32xf32, #tpu.memory_space<vmem>> -> memref<1x4x200x32xf32, #tpu.memory_space<vmem>>
    %dma_start3A_348 = tpu.memref_squeeze %dma_start3A_347 : memref<1x4x200x32xf32, #tpu.memory_space<vmem>> -> memref<4x200x32xf32, #tpu.memory_space<vmem>>
    %dma_start3A_349 = arith.constant 0 : i32
    %dma_start3A_350 = arith.constant 0 : i32
    %dma_start3A_351 = tpu.memref_slice %dma_start3A_348[%dma_start3A_342, %dma_start3A_349, %dma_start3A_350] : memref<4x200x32xf32, #tpu.memory_space<vmem>> -> memref<1x200x32xf32, #tpu.memory_space<vmem>>
    %dma_start3A_352 = tpu.memref_squeeze %dma_start3A_351 : memref<1x200x32xf32, #tpu.memory_space<vmem>> -> memref<200x32xf32, #tpu.memory_space<vmem>>
    %dma_start3A_353 = arith.constant 104 : i32
    %dma_start3A_354 = arith.constant 0 : i32
    %dma_start3A_355 = tpu.memref_slice %dma_start3A_352[%dma_start3A_353, %dma_start3A_354] : memref<200x32xf32, #tpu.memory_space<vmem>> -> memref<96x32xf32, #tpu.memory_space<vmem>>
    %dma_start3A_356 = arith.constant 0 : i32
    %dma_start3A_357 = tpu.memref_slice %arg5[%dma_start3A_340, %dma_start3A_356] : memref<128x200xi32, #tpu.memory_space<vmem>> -> memref<1x200xi32, #tpu.memory_space<vmem>>
    %dma_start3A_358 = tpu.memref_squeeze %dma_start3A_357 : memref<1x200xi32, #tpu.memory_space<vmem>> -> memref<200xi32, #tpu.memory_space<vmem>>
    %dma_start3A_359 = arith.constant 104 : i32
    %dma_start3A_360 = tpu.memref_slice %dma_start3A_358[%dma_start3A_359] : memref<200xi32, #tpu.memory_space<vmem>> -> memref<96xi32, #tpu.memory_space<vmem>>
    %dma_start3A_361 = arith.constant 0 : i32
    %dma_start3A_362 = arith.constant 0 : i32
    %dma_start3A_363 = tpu.memref_slice %arg3[%dma_start3A_361, %dma_start3A_362] : memref<1000000x32xf32, #tpu.memory_space<hbm>> -> memref<1000000x32xf32, #tpu.memory_space<hbm>>
    %dma_start3A_364 = tpu.memref_slice %arg7[%dma_start3A_343] : memref<2x!tpu.dma_semaphore, #tpu.memory_space<semaphore_mem>> -> memref<1x!tpu.dma_semaphore, #tpu.memory_space<semaphore_mem>>
    %dma_start3A_365 = tpu.memref_squeeze %dma_start3A_364 : memref<1x!tpu.dma_semaphore, #tpu.memory_space<semaphore_mem>> -> memref<!tpu.dma_semaphore, #tpu.memory_space<semaphore_mem>>
    tpu.enqueue_indirect_dma source(%dma_start3A_363 : memref<1000000x32xf32, #tpu.memory_space<hbm>>) target(%dma_start3A_355 : memref<96x32xf32, #tpu.memory_space<vmem>>) offsets(%dma_start3A_360 : memref<96xi32, #tpu.memory_space<vmem>>) semaphore(%dma_start3A_365 : memref<!tpu.dma_semaphore, #tpu.memory_space<semaphore_mem>>)
    %dma_start3A_366 = arith.constant 7 : i32
    %dma_start3A_367 = arith.constant 1 : i32
    %dma_start3A_368 = arith.constant 3 : i32
    %dma_start3A_369 = arith.constant 1 : i32
    %dma_start3A_370 = arith.constant 0 : i32
    %dma_start3A_371 = arith.constant 0 : i32
    %dma_start3A_372 = arith.constant 0 : i32
    %dma_start3A_373 = tpu.memref_slice %arg6[%dma_start3A_367, %dma_start3A_370, %dma_start3A_371, %dma_start3A_372] : memref<2x4x200x32xf32, #tpu.memory_space<vmem>> -> memref<1x4x200x32xf32, #tpu.memory_space<vmem>>
    %dma_start3A_374 = tpu.memref_squeeze %dma_start3A_373 : memref<1x4x200x32xf32, #tpu.memory_space<vmem>> -> memref<4x200x32xf32, #tpu.memory_space<vmem>>
    %dma_start3A_375 = arith.constant 0 : i32
    %dma_start3A_376 = arith.constant 0 : i32
    %dma_start3A_377 = tpu.memref_slice %dma_start3A_374[%dma_start3A_368, %dma_start3A_375, %dma_start3A_376] : memref<4x200x32xf32, #tpu.memory_space<vmem>> -> memref<1x200x32xf32, #tpu.memory_space<vmem>>
    %dma_start3A_378 = tpu.memref_squeeze %dma_start3A_377 : memref<1x200x32xf32, #tpu.memory_space<vmem>> -> memref<200x32xf32, #tpu.memory_space<vmem>>
    %dma_start3A_379 = arith.constant 0 : i32
    %dma_start3A_380 = arith.constant 0 : i32
    %dma_start3A_381 = tpu.memref_slice %dma_start3A_378[%dma_start3A_379, %dma_start3A_380] : memref<200x32xf32, #tpu.memory_space<vmem>> -> memref<104x32xf32, #tpu.memory_space<vmem>>
    %dma_start3A_382 = arith.constant 0 : i32
    %dma_start3A_383 = tpu.memref_slice %arg5[%dma_start3A_366, %dma_start3A_382] : memref<128x200xi32, #tpu.memory_space<vmem>> -> memref<1x200xi32, #tpu.memory_space<vmem>>
    %dma_start3A_384 = tpu.memref_squeeze %dma_start3A_383 : memref<1x200xi32, #tpu.memory_space<vmem>> -> memref<200xi32, #tpu.memory_space<vmem>>
    %dma_start3A_385 = arith.constant 0 : i32
    %dma_start3A_386 = tpu.memref_slice %dma_start3A_384[%dma_start3A_385] : memref<200xi32, #tpu.memory_space<vmem>> -> memref<104xi32, #tpu.memory_space<vmem>>
    %dma_start3A_387 = arith.constant 0 : i32
    %dma_start3A_388 = arith.constant 0 : i32
    %dma_start3A_389 = tpu.memref_slice %arg3[%dma_start3A_387, %dma_start3A_388] : memref<1000000x32xf32, #tpu.memory_space<hbm>> -> memref<1000000x32xf32, #tpu.memory_space<hbm>>
    %dma_start3A_390 = tpu.memref_slice %arg7[%dma_start3A_369] : memref<2x!tpu.dma_semaphore, #tpu.memory_space<semaphore_mem>> -> memref<1x!tpu.dma_semaphore, #tpu.memory_space<semaphore_mem>>
    %dma_start3A_391 = tpu.memref_squeeze %dma_start3A_390 : memref<1x!tpu.dma_semaphore, #tpu.memory_space<semaphore_mem>> -> memref<!tpu.dma_semaphore, #tpu.memory_space<semaphore_mem>>
    tpu.enqueue_indirect_dma source(%dma_start3A_389 : memref<1000000x32xf32, #tpu.memory_space<hbm>>) target(%dma_start3A_381 : memref<104x32xf32, #tpu.memory_space<vmem>>) offsets(%dma_start3A_386 : memref<104xi32, #tpu.memory_space<vmem>>) semaphore(%dma_start3A_391 : memref<!tpu.dma_semaphore, #tpu.memory_space<semaphore_mem>>)
    %dma_start3A_392 = arith.constant 7 : i32
    %dma_start3A_393 = arith.constant 1 : i32
    %dma_start3A_394 = arith.constant 3 : i32
    %dma_start3A_395 = arith.constant 1 : i32
    %dma_start3A_396 = arith.constant 0 : i32
    %dma_start3A_397 = arith.constant 0 : i32
    %dma_start3A_398 = arith.constant 0 : i32
    %dma_start3A_399 = tpu.memref_slice %arg6[%dma_start3A_393, %dma_start3A_396, %dma_start3A_397, %dma_start3A_398] : memref<2x4x200x32xf32, #tpu.memory_space<vmem>> -> memref<1x4x200x32xf32, #tpu.memory_space<vmem>>
    %dma_start3A_400 = tpu.memref_squeeze %dma_start3A_399 : memref<1x4x200x32xf32, #tpu.memory_space<vmem>> -> memref<4x200x32xf32, #tpu.memory_space<vmem>>
    %dma_start3A_401 = arith.constant 0 : i32
    %dma_start3A_402 = arith.constant 0 : i32
    %dma_start3A_403 = tpu.memref_slice %dma_start3A_400[%dma_start3A_394, %dma_start3A_401, %dma_start3A_402] : memref<4x200x32xf32, #tpu.memory_space<vmem>> -> memref<1x200x32xf32, #tpu.memory_space<vmem>>
    %dma_start3A_404 = tpu.memref_squeeze %dma_start3A_403 : memref<1x200x32xf32, #tpu.memory_space<vmem>> -> memref<200x32xf32, #tpu.memory_space<vmem>>
    %dma_start3A_405 = arith.constant 104 : i32
    %dma_start3A_406 = arith.constant 0 : i32
    %dma_start3A_407 = tpu.memref_slice %dma_start3A_404[%dma_start3A_405, %dma_start3A_406] : memref<200x32xf32, #tpu.memory_space<vmem>> -> memref<96x32xf32, #tpu.memory_space<vmem>>
    %dma_start3A_408 = arith.constant 0 : i32
    %dma_start3A_409 = tpu.memref_slice %arg5[%dma_start3A_392, %dma_start3A_408] : memref<128x200xi32, #tpu.memory_space<vmem>> -> memref<1x200xi32, #tpu.memory_space<vmem>>
    %dma_start3A_410 = tpu.memref_squeeze %dma_start3A_409 : memref<1x200xi32, #tpu.memory_space<vmem>> -> memref<200xi32, #tpu.memory_space<vmem>>
    %dma_start3A_411 = arith.constant 104 : i32
    %dma_start3A_412 = tpu.memref_slice %dma_start3A_410[%dma_start3A_411] : memref<200xi32, #tpu.memory_space<vmem>> -> memref<96xi32, #tpu.memory_space<vmem>>
    %dma_start3A_413 = arith.constant 0 : i32
    %dma_start3A_414 = arith.constant 0 : i32
    %dma_start3A_415 = tpu.memref_slice %arg3[%dma_start3A_413, %dma_start3A_414] : memref<1000000x32xf32, #tpu.memory_space<hbm>> -> memref<1000000x32xf32, #tpu.memory_space<hbm>>
    %dma_start3A_416 = tpu.memref_slice %arg7[%dma_start3A_395] : memref<2x!tpu.dma_semaphore, #tpu.memory_space<semaphore_mem>> -> memref<1x!tpu.dma_semaphore, #tpu.memory_space<semaphore_mem>>
    %dma_start3A_417 = tpu.memref_squeeze %dma_start3A_416 : memref<1x!tpu.dma_semaphore, #tpu.memory_space<semaphore_mem>> -> memref<!tpu.dma_semaphore, #tpu.memory_space<semaphore_mem>>
    tpu.enqueue_indirect_dma source(%dma_start3A_415 : memref<1000000x32xf32, #tpu.memory_space<hbm>>) target(%dma_start3A_407 : memref<96x32xf32, #tpu.memory_space<vmem>>) offsets(%dma_start3A_412 : memref<96xi32, #tpu.memory_space<vmem>>) semaphore(%dma_start3A_417 : memref<!tpu.dma_semaphore, #tpu.memory_space<semaphore_mem>>)
    %scan3A = arith.constant 0 : i32
    %scan3A_418 = arith.constant 0 : i32
    %scan3A_419 = arith.constant 16 : i32
    %scan3A_420 = arith.addi %scan3A_418, %scan3A_419 : i32
    %scan3A_421 = arith.constant 1 : i32
    scf.for %scan3A_423 = %scan3A_418 to %scan3A_420 step %scan3A_421  : i32 {
      %mul3A_424 = arith.constant 2 : i32
      %mul3A_425 = arith.muli %scan3A_423, %mul3A_424 : i32
      %add3A_426 = arith.constant 0 : i32
      %add3A_427 = arith.addi %mul3A_425, %add3A_426 : i32
      %mul3A_428 = arith.constant 4 : i32
      %mul3A_429 = arith.muli %add3A_427, %mul3A_428 : i32
      %add3A_430 = arith.constant 0 : i32
      %add3A_431 = arith.addi %mul3A_429, %add3A_430 : i32
      %dma_wait3A = arith.constant 0 : i32
      %dma_wait3A_432 = arith.constant 0 : i32
      %dma_wait3A_433 = arith.constant 0 : i32
      %dma_wait3A_434 = arith.constant 0 : i32
      %dma_wait3A_435 = arith.constant 0 : i32
      %dma_wait3A_436 = arith.constant 0 : i32
      %dma_wait3A_437 = tpu.memref_slice %arg6[%dma_wait3A, %dma_wait3A_434, %dma_wait3A_435, %dma_wait3A_436] : memref<2x4x200x32xf32, #tpu.memory_space<vmem>> -> memref<1x4x200x32xf32, #tpu.memory_space<vmem>>
      %dma_wait3A_438 = tpu.memref_squeeze %dma_wait3A_437 : memref<1x4x200x32xf32, #tpu.memory_space<vmem>> -> memref<4x200x32xf32, #tpu.memory_space<vmem>>
      %dma_wait3A_439 = arith.constant 0 : i32
      %dma_wait3A_440 = arith.constant 0 : i32
      %dma_wait3A_441 = tpu.memref_slice %dma_wait3A_438[%dma_wait3A_432, %dma_wait3A_439, %dma_wait3A_440] : memref<4x200x32xf32, #tpu.memory_space<vmem>> -> memref<1x200x32xf32, #tpu.memory_space<vmem>>
      %dma_wait3A_442 = tpu.memref_squeeze %dma_wait3A_441 : memref<1x200x32xf32, #tpu.memory_space<vmem>> -> memref<200x32xf32, #tpu.memory_space<vmem>>
      %dma_wait3A_443 = arith.constant 0 : i32
      %dma_wait3A_444 = arith.constant 0 : i32
      %dma_wait3A_445 = tpu.memref_slice %dma_wait3A_442[%dma_wait3A_443, %dma_wait3A_444] : memref<200x32xf32, #tpu.memory_space<vmem>> -> memref<104x32xf32, #tpu.memory_space<vmem>>
      %dma_wait3A_446 = arith.constant 0 : i32
      %dma_wait3A_447 = tpu.memref_slice %arg5[%add3A_431, %dma_wait3A_446] : memref<128x200xi32, #tpu.memory_space<vmem>> -> memref<1x200xi32, #tpu.memory_space<vmem>>
      %dma_wait3A_448 = tpu.memref_squeeze %dma_wait3A_447 : memref<1x200xi32, #tpu.memory_space<vmem>> -> memref<200xi32, #tpu.memory_space<vmem>>
      %dma_wait3A_449 = arith.constant 0 : i32
      %dma_wait3A_450 = tpu.memref_slice %dma_wait3A_448[%dma_wait3A_449] : memref<200xi32, #tpu.memory_space<vmem>> -> memref<104xi32, #tpu.memory_space<vmem>>
      %dma_wait3A_451 = arith.constant 0 : i32
      %dma_wait3A_452 = arith.constant 0 : i32
      %dma_wait3A_453 = tpu.memref_slice %arg3[%dma_wait3A_451, %dma_wait3A_452] : memref<1000000x32xf32, #tpu.memory_space<hbm>> -> memref<1000000x32xf32, #tpu.memory_space<hbm>>
      %dma_wait3A_454 = tpu.memref_slice %arg7[%dma_wait3A_433] : memref<2x!tpu.dma_semaphore, #tpu.memory_space<semaphore_mem>> -> memref<1x!tpu.dma_semaphore, #tpu.memory_space<semaphore_mem>>
      %dma_wait3A_455 = tpu.memref_squeeze %dma_wait3A_454 : memref<1x!tpu.dma_semaphore, #tpu.memory_space<semaphore_mem>> -> memref<!tpu.dma_semaphore, #tpu.memory_space<semaphore_mem>>
      tpu.wait_indirect_dma semaphore(%dma_wait3A_455 : memref<!tpu.dma_semaphore, #tpu.memory_space<semaphore_mem>>) src(%dma_wait3A_453 : memref<1000000x32xf32, #tpu.memory_space<hbm>>) dst(%dma_wait3A_445 : memref<104x32xf32, #tpu.memory_space<vmem>>)
      %mul3A_456 = arith.constant 4 : i32
      %mul3A_457 = arith.muli %add3A_427, %mul3A_456 : i32
      %add3A_458 = arith.constant 0 : i32
      %add3A_459 = arith.addi %mul3A_457, %add3A_458 : i32
      %dma_wait3A_460 = arith.constant 0 : i32
      %dma_wait3A_461 = arith.constant 0 : i32
      %dma_wait3A_462 = arith.constant 0 : i32
      %dma_wait3A_463 = arith.constant 0 : i32
      %dma_wait3A_464 = arith.constant 0 : i32
      %dma_wait3A_465 = arith.constant 0 : i32
      %dma_wait3A_466 = tpu.memref_slice %arg6[%dma_wait3A_460, %dma_wait3A_463, %dma_wait3A_464, %dma_wait3A_465] : memref<2x4x200x32xf32, #tpu.memory_space<vmem>> -> memref<1x4x200x32xf32, #tpu.memory_space<vmem>>
      %dma_wait3A_467 = tpu.memref_squeeze %dma_wait3A_466 : memref<1x4x200x32xf32, #tpu.memory_space<vmem>> -> memref<4x200x32xf32, #tpu.memory_space<vmem>>
      %dma_wait3A_468 = arith.constant 0 : i32
      %dma_wait3A_469 = arith.constant 0 : i32
      %dma_wait3A_470 = tpu.memref_slice %dma_wait3A_467[%dma_wait3A_461, %dma_wait3A_468, %dma_wait3A_469] : memref<4x200x32xf32, #tpu.memory_space<vmem>> -> memref<1x200x32xf32, #tpu.memory_space<vmem>>
      %dma_wait3A_471 = tpu.memref_squeeze %dma_wait3A_470 : memref<1x200x32xf32, #tpu.memory_space<vmem>> -> memref<200x32xf32, #tpu.memory_space<vmem>>
      %dma_wait3A_472 = arith.constant 104 : i32
      %dma_wait3A_473 = arith.constant 0 : i32
      %dma_wait3A_474 = tpu.memref_slice %dma_wait3A_471[%dma_wait3A_472, %dma_wait3A_473] : memref<200x32xf32, #tpu.memory_space<vmem>> -> memref<96x32xf32, #tpu.memory_space<vmem>>
      %dma_wait3A_475 = arith.constant 0 : i32
      %dma_wait3A_476 = tpu.memref_slice %arg5[%add3A_459, %dma_wait3A_475] : memref<128x200xi32, #tpu.memory_space<vmem>> -> memref<1x200xi32, #tpu.memory_space<vmem>>
      %dma_wait3A_477 = tpu.memref_squeeze %dma_wait3A_476 : memref<1x200xi32, #tpu.memory_space<vmem>> -> memref<200xi32, #tpu.memory_space<vmem>>
      %dma_wait3A_478 = arith.constant 104 : i32
      %dma_wait3A_479 = tpu.memref_slice %dma_wait3A_477[%dma_wait3A_478] : memref<200xi32, #tpu.memory_space<vmem>> -> memref<96xi32, #tpu.memory_space<vmem>>
      %dma_wait3A_480 = arith.constant 0 : i32
      %dma_wait3A_481 = arith.constant 0 : i32
      %dma_wait3A_482 = tpu.memref_slice %arg3[%dma_wait3A_480, %dma_wait3A_481] : memref<1000000x32xf32, #tpu.memory_space<hbm>> -> memref<1000000x32xf32, #tpu.memory_space<hbm>>
      %dma_wait3A_483 = tpu.memref_slice %arg7[%dma_wait3A_462] : memref<2x!tpu.dma_semaphore, #tpu.memory_space<semaphore_mem>> -> memref<1x!tpu.dma_semaphore, #tpu.memory_space<semaphore_mem>>
      %dma_wait3A_484 = tpu.memref_squeeze %dma_wait3A_483 : memref<1x!tpu.dma_semaphore, #tpu.memory_space<semaphore_mem>> -> memref<!tpu.dma_semaphore, #tpu.memory_space<semaphore_mem>>
      tpu.wait_indirect_dma semaphore(%dma_wait3A_484 : memref<!tpu.dma_semaphore, #tpu.memory_space<semaphore_mem>>) src(%dma_wait3A_482 : memref<1000000x32xf32, #tpu.memory_space<hbm>>) dst(%dma_wait3A_474 : memref<96x32xf32, #tpu.memory_space<vmem>>)
      %mul3A_485 = arith.constant 4 : i32
      %mul3A_486 = arith.muli %add3A_427, %mul3A_485 : i32
      %add3A_487 = arith.constant 1 : i32
      %add3A_488 = arith.addi %mul3A_486, %add3A_487 : i32
      %dma_wait3A_489 = arith.constant 0 : i32
      %dma_wait3A_490 = arith.constant 1 : i32
      %dma_wait3A_491 = arith.constant 0 : i32
      %dma_wait3A_492 = arith.constant 0 : i32
      %dma_wait3A_493 = arith.constant 0 : i32
      %dma_wait3A_494 = arith.constant 0 : i32
      %dma_wait3A_495 = tpu.memref_slice %arg6[%dma_wait3A_489, %dma_wait3A_492, %dma_wait3A_493, %dma_wait3A_494] : memref<2x4x200x32xf32, #tpu.memory_space<vmem>> -> memref<1x4x200x32xf32, #tpu.memory_space<vmem>>
      %dma_wait3A_496 = tpu.memref_squeeze %dma_wait3A_495 : memref<1x4x200x32xf32, #tpu.memory_space<vmem>> -> memref<4x200x32xf32, #tpu.memory_space<vmem>>
      %dma_wait3A_497 = arith.constant 0 : i32
      %dma_wait3A_498 = arith.constant 0 : i32
      %dma_wait3A_499 = tpu.memref_slice %dma_wait3A_496[%dma_wait3A_490, %dma_wait3A_497, %dma_wait3A_498] : memref<4x200x32xf32, #tpu.memory_space<vmem>> -> memref<1x200x32xf32, #tpu.memory_space<vmem>>
      %dma_wait3A_500 = tpu.memref_squeeze %dma_wait3A_499 : memref<1x200x32xf32, #tpu.memory_space<vmem>> -> memref<200x32xf32, #tpu.memory_space<vmem>>
      %dma_wait3A_501 = arith.constant 0 : i32
      %dma_wait3A_502 = arith.constant 0 : i32
      %dma_wait3A_503 = tpu.memref_slice %dma_wait3A_500[%dma_wait3A_501, %dma_wait3A_502] : memref<200x32xf32, #tpu.memory_space<vmem>> -> memref<104x32xf32, #tpu.memory_space<vmem>>
      %dma_wait3A_504 = arith.constant 0 : i32
      %dma_wait3A_505 = tpu.memref_slice %arg5[%add3A_488, %dma_wait3A_504] : memref<128x200xi32, #tpu.memory_space<vmem>> -> memref<1x200xi32, #tpu.memory_space<vmem>>
      %dma_wait3A_506 = tpu.memref_squeeze %dma_wait3A_505 : memref<1x200xi32, #tpu.memory_space<vmem>> -> memref<200xi32, #tpu.memory_space<vmem>>
      %dma_wait3A_507 = arith.constant 0 : i32
      %dma_wait3A_508 = tpu.memref_slice %dma_wait3A_506[%dma_wait3A_507] : memref<200xi32, #tpu.memory_space<vmem>> -> memref<104xi32, #tpu.memory_space<vmem>>
      %dma_wait3A_509 = arith.constant 0 : i32
      %dma_wait3A_510 = arith.constant 0 : i32
      %dma_wait3A_511 = tpu.memref_slice %arg3[%dma_wait3A_509, %dma_wait3A_510] : memref<1000000x32xf32, #tpu.memory_space<hbm>> -> memref<1000000x32xf32, #tpu.memory_space<hbm>>
      %dma_wait3A_512 = tpu.memref_slice %arg7[%dma_wait3A_491] : memref<2x!tpu.dma_semaphore, #tpu.memory_space<semaphore_mem>> -> memref<1x!tpu.dma_semaphore, #tpu.memory_space<semaphore_mem>>
      %dma_wait3A_513 = tpu.memref_squeeze %dma_wait3A_512 : memref<1x!tpu.dma_semaphore, #tpu.memory_space<semaphore_mem>> -> memref<!tpu.dma_semaphore, #tpu.memory_space<semaphore_mem>>
      tpu.wait_indirect_dma semaphore(%dma_wait3A_513 : memref<!tpu.dma_semaphore, #tpu.memory_space<semaphore_mem>>) src(%dma_wait3A_511 : memref<1000000x32xf32, #tpu.memory_space<hbm>>) dst(%dma_wait3A_503 : memref<104x32xf32, #tpu.memory_space<vmem>>)
      %mul3A_514 = arith.constant 4 : i32
      %mul3A_515 = arith.muli %add3A_427, %mul3A_514 : i32
      %add3A_516 = arith.constant 1 : i32
      %add3A_517 = arith.addi %mul3A_515, %add3A_516 : i32
      %dma_wait3A_518 = arith.constant 0 : i32
      %dma_wait3A_519 = arith.constant 1 : i32
      %dma_wait3A_520 = arith.constant 0 : i32
      %dma_wait3A_521 = arith.constant 0 : i32
      %dma_wait3A_522 = arith.constant 0 : i32
      %dma_wait3A_523 = arith.constant 0 : i32
      %dma_wait3A_524 = tpu.memref_slice %arg6[%dma_wait3A_518, %dma_wait3A_521, %dma_wait3A_522, %dma_wait3A_523] : memref<2x4x200x32xf32, #tpu.memory_space<vmem>> -> memref<1x4x200x32xf32, #tpu.memory_space<vmem>>
      %dma_wait3A_525 = tpu.memref_squeeze %dma_wait3A_524 : memref<1x4x200x32xf32, #tpu.memory_space<vmem>> -> memref<4x200x32xf32, #tpu.memory_space<vmem>>
      %dma_wait3A_526 = arith.constant 0 : i32
      %dma_wait3A_527 = arith.constant 0 : i32
      %dma_wait3A_528 = tpu.memref_slice %dma_wait3A_525[%dma_wait3A_519, %dma_wait3A_526, %dma_wait3A_527] : memref<4x200x32xf32, #tpu.memory_space<vmem>> -> memref<1x200x32xf32, #tpu.memory_space<vmem>>
      %dma_wait3A_529 = tpu.memref_squeeze %dma_wait3A_528 : memref<1x200x32xf32, #tpu.memory_space<vmem>> -> memref<200x32xf32, #tpu.memory_space<vmem>>
      %dma_wait3A_530 = arith.constant 104 : i32
      %dma_wait3A_531 = arith.constant 0 : i32
      %dma_wait3A_532 = tpu.memref_slice %dma_wait3A_529[%dma_wait3A_530, %dma_wait3A_531] : memref<200x32xf32, #tpu.memory_space<vmem>> -> memref<96x32xf32, #tpu.memory_space<vmem>>
      %dma_wait3A_533 = arith.constant 0 : i32
      %dma_wait3A_534 = tpu.memref_slice %arg5[%add3A_517, %dma_wait3A_533] : memref<128x200xi32, #tpu.memory_space<vmem>> -> memref<1x200xi32, #tpu.memory_space<vmem>>
      %dma_wait3A_535 = tpu.memref_squeeze %dma_wait3A_534 : memref<1x200xi32, #tpu.memory_space<vmem>> -> memref<200xi32, #tpu.memory_space<vmem>>
      %dma_wait3A_536 = arith.constant 104 : i32
      %dma_wait3A_537 = tpu.memref_slice %dma_wait3A_535[%dma_wait3A_536] : memref<200xi32, #tpu.memory_space<vmem>> -> memref<96xi32, #tpu.memory_space<vmem>>
      %dma_wait3A_538 = arith.constant 0 : i32
      %dma_wait3A_539 = arith.constant 0 : i32
      %dma_wait3A_540 = tpu.memref_slice %arg3[%dma_wait3A_538, %dma_wait3A_539] : memref<1000000x32xf32, #tpu.memory_space<hbm>> -> memref<1000000x32xf32, #tpu.memory_space<hbm>>
      %dma_wait3A_541 = tpu.memref_slice %arg7[%dma_wait3A_520] : memref<2x!tpu.dma_semaphore, #tpu.memory_space<semaphore_mem>> -> memref<1x!tpu.dma_semaphore, #tpu.memory_space<semaphore_mem>>
      %dma_wait3A_542 = tpu.memref_squeeze %dma_wait3A_541 : memref<1x!tpu.dma_semaphore, #tpu.memory_space<semaphore_mem>> -> memref<!tpu.dma_semaphore, #tpu.memory_space<semaphore_mem>>
      tpu.wait_indirect_dma semaphore(%dma_wait3A_542 : memref<!tpu.dma_semaphore, #tpu.memory_space<semaphore_mem>>) src(%dma_wait3A_540 : memref<1000000x32xf32, #tpu.memory_space<hbm>>) dst(%dma_wait3A_532 : memref<96x32xf32, #tpu.memory_space<vmem>>)
      %mul3A_543 = arith.constant 4 : i32
      %mul3A_544 = arith.muli %add3A_427, %mul3A_543 : i32
      %add3A_545 = arith.constant 2 : i32
      %add3A_546 = arith.addi %mul3A_544, %add3A_545 : i32
      %dma_wait3A_547 = arith.constant 0 : i32
      %dma_wait3A_548 = arith.constant 2 : i32
      %dma_wait3A_549 = arith.constant 0 : i32
      %dma_wait3A_550 = arith.constant 0 : i32
      %dma_wait3A_551 = arith.constant 0 : i32
      %dma_wait3A_552 = arith.constant 0 : i32
      %dma_wait3A_553 = tpu.memref_slice %arg6[%dma_wait3A_547, %dma_wait3A_550, %dma_wait3A_551, %dma_wait3A_552] : memref<2x4x200x32xf32, #tpu.memory_space<vmem>> -> memref<1x4x200x32xf32, #tpu.memory_space<vmem>>
      %dma_wait3A_554 = tpu.memref_squeeze %dma_wait3A_553 : memref<1x4x200x32xf32, #tpu.memory_space<vmem>> -> memref<4x200x32xf32, #tpu.memory_space<vmem>>
      %dma_wait3A_555 = arith.constant 0 : i32
      %dma_wait3A_556 = arith.constant 0 : i32
      %dma_wait3A_557 = tpu.memref_slice %dma_wait3A_554[%dma_wait3A_548, %dma_wait3A_555, %dma_wait3A_556] : memref<4x200x32xf32, #tpu.memory_space<vmem>> -> memref<1x200x32xf32, #tpu.memory_space<vmem>>
      %dma_wait3A_558 = tpu.memref_squeeze %dma_wait3A_557 : memref<1x200x32xf32, #tpu.memory_space<vmem>> -> memref<200x32xf32, #tpu.memory_space<vmem>>
      %dma_wait3A_559 = arith.constant 0 : i32
      %dma_wait3A_560 = arith.constant 0 : i32
      %dma_wait3A_561 = tpu.memref_slice %dma_wait3A_558[%dma_wait3A_559, %dma_wait3A_560] : memref<200x32xf32, #tpu.memory_space<vmem>> -> memref<104x32xf32, #tpu.memory_space<vmem>>
      %dma_wait3A_562 = arith.constant 0 : i32
      %dma_wait3A_563 = tpu.memref_slice %arg5[%add3A_546, %dma_wait3A_562] : memref<128x200xi32, #tpu.memory_space<vmem>> -> memref<1x200xi32, #tpu.memory_space<vmem>>
      %dma_wait3A_564 = tpu.memref_squeeze %dma_wait3A_563 : memref<1x200xi32, #tpu.memory_space<vmem>> -> memref<200xi32, #tpu.memory_space<vmem>>
      %dma_wait3A_565 = arith.constant 0 : i32
      %dma_wait3A_566 = tpu.memref_slice %dma_wait3A_564[%dma_wait3A_565] : memref<200xi32, #tpu.memory_space<vmem>> -> memref<104xi32, #tpu.memory_space<vmem>>
      %dma_wait3A_567 = arith.constant 0 : i32
      %dma_wait3A_568 = arith.constant 0 : i32
      %dma_wait3A_569 = tpu.memref_slice %arg3[%dma_wait3A_567, %dma_wait3A_568] : memref<1000000x32xf32, #tpu.memory_space<hbm>> -> memref<1000000x32xf32, #tpu.memory_space<hbm>>
      %dma_wait3A_570 = tpu.memref_slice %arg7[%dma_wait3A_549] : memref<2x!tpu.dma_semaphore, #tpu.memory_space<semaphore_mem>> -> memref<1x!tpu.dma_semaphore, #tpu.memory_space<semaphore_mem>>
      %dma_wait3A_571 = tpu.memref_squeeze %dma_wait3A_570 : memref<1x!tpu.dma_semaphore, #tpu.memory_space<semaphore_mem>> -> memref<!tpu.dma_semaphore, #tpu.memory_space<semaphore_mem>>
      tpu.wait_indirect_dma semaphore(%dma_wait3A_571 : memref<!tpu.dma_semaphore, #tpu.memory_space<semaphore_mem>>) src(%dma_wait3A_569 : memref<1000000x32xf32, #tpu.memory_space<hbm>>) dst(%dma_wait3A_561 : memref<104x32xf32, #tpu.memory_space<vmem>>)
      %mul3A_572 = arith.constant 4 : i32
      %mul3A_573 = arith.muli %add3A_427, %mul3A_572 : i32
      %add3A_574 = arith.constant 2 : i32
      %add3A_575 = arith.addi %mul3A_573, %add3A_574 : i32
      %dma_wait3A_576 = arith.constant 0 : i32
      %dma_wait3A_577 = arith.constant 2 : i32
      %dma_wait3A_578 = arith.constant 0 : i32
      %dma_wait3A_579 = arith.constant 0 : i32
      %dma_wait3A_580 = arith.constant 0 : i32
      %dma_wait3A_581 = arith.constant 0 : i32
      %dma_wait3A_582 = tpu.memref_slice %arg6[%dma_wait3A_576, %dma_wait3A_579, %dma_wait3A_580, %dma_wait3A_581] : memref<2x4x200x32xf32, #tpu.memory_space<vmem>> -> memref<1x4x200x32xf32, #tpu.memory_space<vmem>>
      %dma_wait3A_583 = tpu.memref_squeeze %dma_wait3A_582 : memref<1x4x200x32xf32, #tpu.memory_space<vmem>> -> memref<4x200x32xf32, #tpu.memory_space<vmem>>
      %dma_wait3A_584 = arith.constant 0 : i32
      %dma_wait3A_585 = arith.constant 0 : i32
      %dma_wait3A_586 = tpu.memref_slice %dma_wait3A_583[%dma_wait3A_577, %dma_wait3A_584, %dma_wait3A_585] : memref<4x200x32xf32, #tpu.memory_space<vmem>> -> memref<1x200x32xf32, #tpu.memory_space<vmem>>
      %dma_wait3A_587 = tpu.memref_squeeze %dma_wait3A_586 : memref<1x200x32xf32, #tpu.memory_space<vmem>> -> memref<200x32xf32, #tpu.memory_space<vmem>>
      %dma_wait3A_588 = arith.constant 104 : i32
      %dma_wait3A_589 = arith.constant 0 : i32
      %dma_wait3A_590 = tpu.memref_slice %dma_wait3A_587[%dma_wait3A_588, %dma_wait3A_589] : memref<200x32xf32, #tpu.memory_space<vmem>> -> memref<96x32xf32, #tpu.memory_space<vmem>>
      %dma_wait3A_591 = arith.constant 0 : i32
      %dma_wait3A_592 = tpu.memref_slice %arg5[%add3A_575, %dma_wait3A_591] : memref<128x200xi32, #tpu.memory_space<vmem>> -> memref<1x200xi32, #tpu.memory_space<vmem>>
      %dma_wait3A_593 = tpu.memref_squeeze %dma_wait3A_592 : memref<1x200xi32, #tpu.memory_space<vmem>> -> memref<200xi32, #tpu.memory_space<vmem>>
      %dma_wait3A_594 = arith.constant 104 : i32
      %dma_wait3A_595 = tpu.memref_slice %dma_wait3A_593[%dma_wait3A_594] : memref<200xi32, #tpu.memory_space<vmem>> -> memref<96xi32, #tpu.memory_space<vmem>>
      %dma_wait3A_596 = arith.constant 0 : i32
      %dma_wait3A_597 = arith.constant 0 : i32
      %dma_wait3A_598 = tpu.memref_slice %arg3[%dma_wait3A_596, %dma_wait3A_597] : memref<1000000x32xf32, #tpu.memory_space<hbm>> -> memref<1000000x32xf32, #tpu.memory_space<hbm>>
      %dma_wait3A_599 = tpu.memref_slice %arg7[%dma_wait3A_578] : memref<2x!tpu.dma_semaphore, #tpu.memory_space<semaphore_mem>> -> memref<1x!tpu.dma_semaphore, #tpu.memory_space<semaphore_mem>>
      %dma_wait3A_600 = tpu.memref_squeeze %dma_wait3A_599 : memref<1x!tpu.dma_semaphore, #tpu.memory_space<semaphore_mem>> -> memref<!tpu.dma_semaphore, #tpu.memory_space<semaphore_mem>>
      tpu.wait_indirect_dma semaphore(%dma_wait3A_600 : memref<!tpu.dma_semaphore, #tpu.memory_space<semaphore_mem>>) src(%dma_wait3A_598 : memref<1000000x32xf32, #tpu.memory_space<hbm>>) dst(%dma_wait3A_590 : memref<96x32xf32, #tpu.memory_space<vmem>>)
      %mul3A_601 = arith.constant 4 : i32
      %mul3A_602 = arith.muli %add3A_427, %mul3A_601 : i32
      %add3A_603 = arith.constant 3 : i32
      %add3A_604 = arith.addi %mul3A_602, %add3A_603 : i32
      %dma_wait3A_605 = arith.constant 0 : i32
      %dma_wait3A_606 = arith.constant 3 : i32
      %dma_wait3A_607 = arith.constant 0 : i32
      %dma_wait3A_608 = arith.constant 0 : i32
      %dma_wait3A_609 = arith.constant 0 : i32
      %dma_wait3A_610 = arith.constant 0 : i32
      %dma_wait3A_611 = tpu.memref_slice %arg6[%dma_wait3A_605, %dma_wait3A_608, %dma_wait3A_609, %dma_wait3A_610] : memref<2x4x200x32xf32, #tpu.memory_space<vmem>> -> memref<1x4x200x32xf32, #tpu.memory_space<vmem>>
      %dma_wait3A_612 = tpu.memref_squeeze %dma_wait3A_611 : memref<1x4x200x32xf32, #tpu.memory_space<vmem>> -> memref<4x200x32xf32, #tpu.memory_space<vmem>>
      %dma_wait3A_613 = arith.constant 0 : i32
      %dma_wait3A_614 = arith.constant 0 : i32
      %dma_wait3A_615 = tpu.memref_slice %dma_wait3A_612[%dma_wait3A_606, %dma_wait3A_613, %dma_wait3A_614] : memref<4x200x32xf32, #tpu.memory_space<vmem>> -> memref<1x200x32xf32, #tpu.memory_space<vmem>>
      %dma_wait3A_616 = tpu.memref_squeeze %dma_wait3A_615 : memref<1x200x32xf32, #tpu.memory_space<vmem>> -> memref<200x32xf32, #tpu.memory_space<vmem>>
      %dma_wait3A_617 = arith.constant 0 : i32
      %dma_wait3A_618 = arith.constant 0 : i32
      %dma_wait3A_619 = tpu.memref_slice %dma_wait3A_616[%dma_wait3A_617, %dma_wait3A_618] : memref<200x32xf32, #tpu.memory_space<vmem>> -> memref<104x32xf32, #tpu.memory_space<vmem>>
      %dma_wait3A_620 = arith.constant 0 : i32
      %dma_wait3A_621 = tpu.memref_slice %arg5[%add3A_604, %dma_wait3A_620] : memref<128x200xi32, #tpu.memory_space<vmem>> -> memref<1x200xi32, #tpu.memory_space<vmem>>
      %dma_wait3A_622 = tpu.memref_squeeze %dma_wait3A_621 : memref<1x200xi32, #tpu.memory_space<vmem>> -> memref<200xi32, #tpu.memory_space<vmem>>
      %dma_wait3A_623 = arith.constant 0 : i32
      %dma_wait3A_624 = tpu.memref_slice %dma_wait3A_622[%dma_wait3A_623] : memref<200xi32, #tpu.memory_space<vmem>> -> memref<104xi32, #tpu.memory_space<vmem>>
      %dma_wait3A_625 = arith.constant 0 : i32
      %dma_wait3A_626 = arith.constant 0 : i32
      %dma_wait3A_627 = tpu.memref_slice %arg3[%dma_wait3A_625, %dma_wait3A_626] : memref<1000000x32xf32, #tpu.memory_space<hbm>> -> memref<1000000x32xf32, #tpu.memory_space<hbm>>
      %dma_wait3A_628 = tpu.memref_slice %arg7[%dma_wait3A_607] : memref<2x!tpu.dma_semaphore, #tpu.memory_space<semaphore_mem>> -> memref<1x!tpu.dma_semaphore, #tpu.memory_space<semaphore_mem>>
      %dma_wait3A_629 = tpu.memref_squeeze %dma_wait3A_628 : memref<1x!tpu.dma_semaphore, #tpu.memory_space<semaphore_mem>> -> memref<!tpu.dma_semaphore, #tpu.memory_space<semaphore_mem>>
      tpu.wait_indirect_dma semaphore(%dma_wait3A_629 : memref<!tpu.dma_semaphore, #tpu.memory_space<semaphore_mem>>) src(%dma_wait3A_627 : memref<1000000x32xf32, #tpu.memory_space<hbm>>) dst(%dma_wait3A_619 : memref<104x32xf32, #tpu.memory_space<vmem>>)
      %mul3A_630 = arith.constant 4 : i32
      %mul3A_631 = arith.muli %add3A_427, %mul3A_630 : i32
      %add3A_632 = arith.constant 3 : i32
      %add3A_633 = arith.addi %mul3A_631, %add3A_632 : i32
      %dma_wait3A_634 = arith.constant 0 : i32
      %dma_wait3A_635 = arith.constant 3 : i32
      %dma_wait3A_636 = arith.constant 0 : i32
      %dma_wait3A_637 = arith.constant 0 : i32
      %dma_wait3A_638 = arith.constant 0 : i32
      %dma_wait3A_639 = arith.constant 0 : i32
      %dma_wait3A_640 = tpu.memref_slice %arg6[%dma_wait3A_634, %dma_wait3A_637, %dma_wait3A_638, %dma_wait3A_639] : memref<2x4x200x32xf32, #tpu.memory_space<vmem>> -> memref<1x4x200x32xf32, #tpu.memory_space<vmem>>
      %dma_wait3A_641 = tpu.memref_squeeze %dma_wait3A_640 : memref<1x4x200x32xf32, #tpu.memory_space<vmem>> -> memref<4x200x32xf32, #tpu.memory_space<vmem>>
      %dma_wait3A_642 = arith.constant 0 : i32
      %dma_wait3A_643 = arith.constant 0 : i32
      %dma_wait3A_644 = tpu.memref_slice %dma_wait3A_641[%dma_wait3A_635, %dma_wait3A_642, %dma_wait3A_643] : memref<4x200x32xf32, #tpu.memory_space<vmem>> -> memref<1x200x32xf32, #tpu.memory_space<vmem>>
      %dma_wait3A_645 = tpu.memref_squeeze %dma_wait3A_644 : memref<1x200x32xf32, #tpu.memory_space<vmem>> -> memref<200x32xf32, #tpu.memory_space<vmem>>
      %dma_wait3A_646 = arith.constant 104 : i32
      %dma_wait3A_647 = arith.constant 0 : i32
      %dma_wait3A_648 = tpu.memref_slice %dma_wait3A_645[%dma_wait3A_646, %dma_wait3A_647] : memref<200x32xf32, #tpu.memory_space<vmem>> -> memref<96x32xf32, #tpu.memory_space<vmem>>
      %dma_wait3A_649 = arith.constant 0 : i32
      %dma_wait3A_650 = tpu.memref_slice %arg5[%add3A_633, %dma_wait3A_649] : memref<128x200xi32, #tpu.memory_space<vmem>> -> memref<1x200xi32, #tpu.memory_space<vmem>>
      %dma_wait3A_651 = tpu.memref_squeeze %dma_wait3A_650 : memref<1x200xi32, #tpu.memory_space<vmem>> -> memref<200xi32, #tpu.memory_space<vmem>>
      %dma_wait3A_652 = arith.constant 104 : i32
      %dma_wait3A_653 = tpu.memref_slice %dma_wait3A_651[%dma_wait3A_652] : memref<200xi32, #tpu.memory_space<vmem>> -> memref<96xi32, #tpu.memory_space<vmem>>
      %dma_wait3A_654 = arith.constant 0 : i32
      %dma_wait3A_655 = arith.constant 0 : i32
      %dma_wait3A_656 = tpu.memref_slice %arg3[%dma_wait3A_654, %dma_wait3A_655] : memref<1000000x32xf32, #tpu.memory_space<hbm>> -> memref<1000000x32xf32, #tpu.memory_space<hbm>>
      %dma_wait3A_657 = tpu.memref_slice %arg7[%dma_wait3A_636] : memref<2x!tpu.dma_semaphore, #tpu.memory_space<semaphore_mem>> -> memref<1x!tpu.dma_semaphore, #tpu.memory_space<semaphore_mem>>
      %dma_wait3A_658 = tpu.memref_squeeze %dma_wait3A_657 : memref<1x!tpu.dma_semaphore, #tpu.memory_space<semaphore_mem>> -> memref<!tpu.dma_semaphore, #tpu.memory_space<semaphore_mem>>
      tpu.wait_indirect_dma semaphore(%dma_wait3A_658 : memref<!tpu.dma_semaphore, #tpu.memory_space<semaphore_mem>>) src(%dma_wait3A_656 : memref<1000000x32xf32, #tpu.memory_space<hbm>>) dst(%dma_wait3A_648 : memref<96x32xf32, #tpu.memory_space<vmem>>)
      %mul3A_659 = arith.constant 4 : i32
      %mul3A_660 = arith.muli %add3A_427, %mul3A_659 : i32
      %add3A_661 = arith.addi %mul3A_2, %mul3A_660 : i32
      %dma_start3A_662 = arith.constant 0 : i32
      %dma_start3A_663 = arith.constant 0 : i32
      %dma_start3A_664 = arith.constant 0 : i32
      %dma_start3A_665 = arith.constant 0 : i32
      %dma_start3A_666 = arith.constant 0 : i32
      %dma_start3A_667 = tpu.memref_slice %arg6[%dma_start3A_662, %dma_start3A_664, %dma_start3A_665, %dma_start3A_666] : memref<2x4x200x32xf32, #tpu.memory_space<vmem>> -> memref<1x4x200x32xf32, #tpu.memory_space<vmem>>
      %dma_start3A_668 = tpu.memref_squeeze %dma_start3A_667 : memref<1x4x200x32xf32, #tpu.memory_space<vmem>> -> memref<4x200x32xf32, #tpu.memory_space<vmem>>
      %dma_start3A_669 = arith.constant 0 : i32
      %dma_start3A_670 = arith.constant 0 : i32
      %dma_start3A_671 = tpu.memref_slice %arg4[%add3A_661, %dma_start3A_669, %dma_start3A_670] : memref<4096x200x32xf32, #tpu.memory_space<hbm>> -> memref<4x200x32xf32, #tpu.memory_space<hbm>>
      %dma_start3A_672 = tpu.memref_slice %arg8[%dma_start3A_663] : memref<2x!tpu.dma_semaphore, #tpu.memory_space<semaphore_mem>> -> memref<1x!tpu.dma_semaphore, #tpu.memory_space<semaphore_mem>>
      %dma_start3A_673 = tpu.memref_squeeze %dma_start3A_672 : memref<1x!tpu.dma_semaphore, #tpu.memory_space<semaphore_mem>> -> memref<!tpu.dma_semaphore, #tpu.memory_space<semaphore_mem>>
      %dma_start3A_674 = arith.constant 0 : i32
      %dma_start3A_675 = arith.constant 0 : i32
      %dma_start3A_676 = tpu.memref_slice %arg4[%add3A_661, %dma_start3A_674, %dma_start3A_675] : memref<4096x200x32xf32, #tpu.memory_space<hbm>> -> memref<4x200x32xf32, #tpu.memory_space<hbm>>
      %dma_start3A_677 = arith.constant 0 : i32
      %dma_start3A_678 = arith.constant 0 : i32
      %dma_start3A_679 = arith.constant 0 : i32
      %dma_start3A_680 = tpu.memref_slice %arg6[%dma_start3A_662, %dma_start3A_677, %dma_start3A_678, %dma_start3A_679] : memref<2x4x200x32xf32, #tpu.memory_space<vmem>> -> memref<1x4x200x32xf32, #tpu.memory_space<vmem>>
      %dma_start3A_681 = tpu.memref_squeeze %dma_start3A_680 : memref<1x4x200x32xf32, #tpu.memory_space<vmem>> -> memref<4x200x32xf32, #tpu.memory_space<vmem>>
      tpu.enqueue_dma source(%dma_start3A_681 : memref<4x200x32xf32, #tpu.memory_space<vmem>>) target(%dma_start3A_676 : memref<4x200x32xf32, #tpu.memory_space<hbm>>) target_semaphore(%dma_start3A_673 : memref<!tpu.dma_semaphore, #tpu.memory_space<semaphore_mem>>)
      %add3A_682 = arith.constant 2 : i32
      %add3A_683 = arith.addi %add3A_427, %add3A_682 : i32
      %lt3A = arith.constant 32 : i32
      %lt3A_684 = arith.cmpi slt, %add3A_683, %lt3A : i32
      %convert_element_type3A = arith.extui %lt3A_684 : i1 to i32
      %cond3A = arith.constant 0 : i32
      %cond3A_685 = arith.cmpi ne, %convert_element_type3A, %cond3A : i32
      scf.if %cond3A_685 {
        %mul3A_959 = arith.constant 4 : i32
        %mul3A_960 = arith.muli %add3A_427, %mul3A_959 : i32
        %add3A_961 = arith.addi %mul3A_2, %mul3A_960 : i32
        %dma_wait3A_962 = arith.constant 0 : i32
        %dma_wait3A_963 = arith.constant 0 : i32
        %dma_wait3A_964 = arith.constant 0 : i32
        %dma_wait3A_965 = arith.constant 0 : i32
        %dma_wait3A_966 = arith.constant 0 : i32
        %dma_wait3A_967 = tpu.memref_slice %arg6[%dma_wait3A_962, %dma_wait3A_964, %dma_wait3A_965, %dma_wait3A_966] : memref<2x4x200x32xf32, #tpu.memory_space<vmem>> -> memref<1x4x200x32xf32, #tpu.memory_space<vmem>>
        %dma_wait3A_968 = tpu.memref_squeeze %dma_wait3A_967 : memref<1x4x200x32xf32, #tpu.memory_space<vmem>> -> memref<4x200x32xf32, #tpu.memory_space<vmem>>
        %dma_wait3A_969 = arith.constant 0 : i32
        %dma_wait3A_970 = arith.constant 0 : i32
        %dma_wait3A_971 = tpu.memref_slice %arg4[%add3A_961, %dma_wait3A_969, %dma_wait3A_970] : memref<4096x200x32xf32, #tpu.memory_space<hbm>> -> memref<4x200x32xf32, #tpu.memory_space<hbm>>
        %dma_wait3A_972 = tpu.memref_slice %arg8[%dma_wait3A_963] : memref<2x!tpu.dma_semaphore, #tpu.memory_space<semaphore_mem>> -> memref<1x!tpu.dma_semaphore, #tpu.memory_space<semaphore_mem>>
        %dma_wait3A_973 = tpu.memref_squeeze %dma_wait3A_972 : memref<1x!tpu.dma_semaphore, #tpu.memory_space<semaphore_mem>> -> memref<!tpu.dma_semaphore, #tpu.memory_space<semaphore_mem>>
        %dma_wait3A_974 = arith.constant 0 : i32
        %dma_wait3A_975 = arith.constant 0 : i32
        %dma_wait3A_976 = tpu.memref_slice %arg4[%add3A_961, %dma_wait3A_974, %dma_wait3A_975] : memref<4096x200x32xf32, #tpu.memory_space<hbm>> -> memref<4x200x32xf32, #tpu.memory_space<hbm>>
        %dma_wait3A_977 = arith.constant 0 : i32
        %dma_wait3A_978 = arith.constant 0 : i32
        %dma_wait3A_979 = arith.constant 0 : i32
        %dma_wait3A_980 = tpu.memref_slice %arg6[%dma_wait3A_962, %dma_wait3A_977, %dma_wait3A_978, %dma_wait3A_979] : memref<2x4x200x32xf32, #tpu.memory_space<vmem>> -> memref<1x4x200x32xf32, #tpu.memory_space<vmem>>
        %dma_wait3A_981 = tpu.memref_squeeze %dma_wait3A_980 : memref<1x4x200x32xf32, #tpu.memory_space<vmem>> -> memref<4x200x32xf32, #tpu.memory_space<vmem>>
        tpu.wait_dma2 semaphore(%dma_wait3A_973 : memref<!tpu.dma_semaphore, #tpu.memory_space<semaphore_mem>>) src(%dma_wait3A_981 : memref<4x200x32xf32, #tpu.memory_space<vmem>>) dst(%dma_wait3A_976 : memref<4x200x32xf32, #tpu.memory_space<hbm>>)
        %mul3A_982 = arith.constant 4 : i32
        %mul3A_983 = arith.muli %add3A_683, %mul3A_982 : i32
        %add3A_984 = arith.constant 0 : i32
        %add3A_985 = arith.addi %mul3A_983, %add3A_984 : i32
        %dma_start3A_986 = arith.constant 0 : i32
        %dma_start3A_987 = arith.constant 0 : i32
        %dma_start3A_988 = arith.constant 0 : i32
        %dma_start3A_989 = arith.constant 0 : i32
        %dma_start3A_990 = arith.constant 0 : i32
        %dma_start3A_991 = arith.constant 0 : i32
        %dma_start3A_992 = tpu.memref_slice %arg6[%dma_start3A_986, %dma_start3A_989, %dma_start3A_990, %dma_start3A_991] : memref<2x4x200x32xf32, #tpu.memory_space<vmem>> -> memref<1x4x200x32xf32, #tpu.memory_space<vmem>>
        %dma_start3A_993 = tpu.memref_squeeze %dma_start3A_992 : memref<1x4x200x32xf32, #tpu.memory_space<vmem>> -> memref<4x200x32xf32, #tpu.memory_space<vmem>>
        %dma_start3A_994 = arith.constant 0 : i32
        %dma_start3A_995 = arith.constant 0 : i32
        %dma_start3A_996 = tpu.memref_slice %dma_start3A_993[%dma_start3A_987, %dma_start3A_994, %dma_start3A_995] : memref<4x200x32xf32, #tpu.memory_space<vmem>> -> memref<1x200x32xf32, #tpu.memory_space<vmem>>
        %dma_start3A_997 = tpu.memref_squeeze %dma_start3A_996 : memref<1x200x32xf32, #tpu.memory_space<vmem>> -> memref<200x32xf32, #tpu.memory_space<vmem>>
        %dma_start3A_998 = arith.constant 0 : i32
        %dma_start3A_999 = arith.constant 0 : i32
        %dma_start3A_1000 = tpu.memref_slice %dma_start3A_997[%dma_start3A_998, %dma_start3A_999] : memref<200x32xf32, #tpu.memory_space<vmem>> -> memref<104x32xf32, #tpu.memory_space<vmem>>
        %dma_start3A_1001 = arith.constant 0 : i32
        %dma_start3A_1002 = tpu.memref_slice %arg5[%add3A_985, %dma_start3A_1001] : memref<128x200xi32, #tpu.memory_space<vmem>> -> memref<1x200xi32, #tpu.memory_space<vmem>>
        %dma_start3A_1003 = tpu.memref_squeeze %dma_start3A_1002 : memref<1x200xi32, #tpu.memory_space<vmem>> -> memref<200xi32, #tpu.memory_space<vmem>>
        %dma_start3A_1004 = arith.constant 0 : i32
        %dma_start3A_1005 = tpu.memref_slice %dma_start3A_1003[%dma_start3A_1004] : memref<200xi32, #tpu.memory_space<vmem>> -> memref<104xi32, #tpu.memory_space<vmem>>
        %dma_start3A_1006 = arith.constant 0 : i32
        %dma_start3A_1007 = arith.constant 0 : i32
        %dma_start3A_1008 = tpu.memref_slice %arg3[%dma_start3A_1006, %dma_start3A_1007] : memref<1000000x32xf32, #tpu.memory_space<hbm>> -> memref<1000000x32xf32, #tpu.memory_space<hbm>>
        %dma_start3A_1009 = tpu.memref_slice %arg7[%dma_start3A_988] : memref<2x!tpu.dma_semaphore, #tpu.memory_space<semaphore_mem>> -> memref<1x!tpu.dma_semaphore, #tpu.memory_space<semaphore_mem>>
        %dma_start3A_1010 = tpu.memref_squeeze %dma_start3A_1009 : memref<1x!tpu.dma_semaphore, #tpu.memory_space<semaphore_mem>> -> memref<!tpu.dma_semaphore, #tpu.memory_space<semaphore_mem>>
        tpu.enqueue_indirect_dma source(%dma_start3A_1008 : memref<1000000x32xf32, #tpu.memory_space<hbm>>) target(%dma_start3A_1000 : memref<104x32xf32, #tpu.memory_space<vmem>>) offsets(%dma_start3A_1005 : memref<104xi32, #tpu.memory_space<vmem>>) semaphore(%dma_start3A_1010 : memref<!tpu.dma_semaphore, #tpu.memory_space<semaphore_mem>>)
        %mul3A_1011 = arith.constant 4 : i32
        %mul3A_1012 = arith.muli %add3A_683, %mul3A_1011 : i32
        %add3A_1013 = arith.constant 0 : i32
        %add3A_1014 = arith.addi %mul3A_1012, %add3A_1013 : i32
        %dma_start3A_1015 = arith.constant 0 : i32
        %dma_start3A_1016 = arith.constant 0 : i32
        %dma_start3A_1017 = arith.constant 0 : i32
        %dma_start3A_1018 = arith.constant 0 : i32
        %dma_start3A_1019 = arith.constant 0 : i32
        %dma_start3A_1020 = arith.constant 0 : i32
        %dma_start3A_1021 = tpu.memref_slice %arg6[%dma_start3A_1015, %dma_start3A_1018, %dma_start3A_1019, %dma_start3A_1020] : memref<2x4x200x32xf32, #tpu.memory_space<vmem>> -> memref<1x4x200x32xf32, #tpu.memory_space<vmem>>
        %dma_start3A_1022 = tpu.memref_squeeze %dma_start3A_1021 : memref<1x4x200x32xf32, #tpu.memory_space<vmem>> -> memref<4x200x32xf32, #tpu.memory_space<vmem>>
        %dma_start3A_1023 = arith.constant 0 : i32
        %dma_start3A_1024 = arith.constant 0 : i32
        %dma_start3A_1025 = tpu.memref_slice %dma_start3A_1022[%dma_start3A_1016, %dma_start3A_1023, %dma_start3A_1024] : memref<4x200x32xf32, #tpu.memory_space<vmem>> -> memref<1x200x32xf32, #tpu.memory_space<vmem>>
        %dma_start3A_1026 = tpu.memref_squeeze %dma_start3A_1025 : memref<1x200x32xf32, #tpu.memory_space<vmem>> -> memref<200x32xf32, #tpu.memory_space<vmem>>
        %dma_start3A_1027 = arith.constant 104 : i32
        %dma_start3A_1028 = arith.constant 0 : i32
        %dma_start3A_1029 = tpu.memref_slice %dma_start3A_1026[%dma_start3A_1027, %dma_start3A_1028] : memref<200x32xf32, #tpu.memory_space<vmem>> -> memref<96x32xf32, #tpu.memory_space<vmem>>
        %dma_start3A_1030 = arith.constant 0 : i32
        %dma_start3A_1031 = tpu.memref_slice %arg5[%add3A_1014, %dma_start3A_1030] : memref<128x200xi32, #tpu.memory_space<vmem>> -> memref<1x200xi32, #tpu.memory_space<vmem>>
        %dma_start3A_1032 = tpu.memref_squeeze %dma_start3A_1031 : memref<1x200xi32, #tpu.memory_space<vmem>> -> memref<200xi32, #tpu.memory_space<vmem>>
        %dma_start3A_1033 = arith.constant 104 : i32
        %dma_start3A_1034 = tpu.memref_slice %dma_start3A_1032[%dma_start3A_1033] : memref<200xi32, #tpu.memory_space<vmem>> -> memref<96xi32, #tpu.memory_space<vmem>>
        %dma_start3A_1035 = arith.constant 0 : i32
        %dma_start3A_1036 = arith.constant 0 : i32
        %dma_start3A_1037 = tpu.memref_slice %arg3[%dma_start3A_1035, %dma_start3A_1036] : memref<1000000x32xf32, #tpu.memory_space<hbm>> -> memref<1000000x32xf32, #tpu.memory_space<hbm>>
        %dma_start3A_1038 = tpu.memref_slice %arg7[%dma_start3A_1017] : memref<2x!tpu.dma_semaphore, #tpu.memory_space<semaphore_mem>> -> memref<1x!tpu.dma_semaphore, #tpu.memory_space<semaphore_mem>>
        %dma_start3A_1039 = tpu.memref_squeeze %dma_start3A_1038 : memref<1x!tpu.dma_semaphore, #tpu.memory_space<semaphore_mem>> -> memref<!tpu.dma_semaphore, #tpu.memory_space<semaphore_mem>>
        tpu.enqueue_indirect_dma source(%dma_start3A_1037 : memref<1000000x32xf32, #tpu.memory_space<hbm>>) target(%dma_start3A_1029 : memref<96x32xf32, #tpu.memory_space<vmem>>) offsets(%dma_start3A_1034 : memref<96xi32, #tpu.memory_space<vmem>>) semaphore(%dma_start3A_1039 : memref<!tpu.dma_semaphore, #tpu.memory_space<semaphore_mem>>)
        %mul3A_1040 = arith.constant 4 : i32
        %mul3A_1041 = arith.muli %add3A_683, %mul3A_1040 : i32
        %add3A_1042 = arith.constant 1 : i32
        %add3A_1043 = arith.addi %mul3A_1041, %add3A_1042 : i32
        %dma_start3A_1044 = arith.constant 0 : i32
        %dma_start3A_1045 = arith.constant 1 : i32
        %dma_start3A_1046 = arith.constant 0 : i32
        %dma_start3A_1047 = arith.constant 0 : i32
        %dma_start3A_1048 = arith.constant 0 : i32
        %dma_start3A_1049 = arith.constant 0 : i32
        %dma_start3A_1050 = tpu.memref_slice %arg6[%dma_start3A_1044, %dma_start3A_1047, %dma_start3A_1048, %dma_start3A_1049] : memref<2x4x200x32xf32, #tpu.memory_space<vmem>> -> memref<1x4x200x32xf32, #tpu.memory_space<vmem>>
        %dma_start3A_1051 = tpu.memref_squeeze %dma_start3A_1050 : memref<1x4x200x32xf32, #tpu.memory_space<vmem>> -> memref<4x200x32xf32, #tpu.memory_space<vmem>>
        %dma_start3A_1052 = arith.constant 0 : i32
        %dma_start3A_1053 = arith.constant 0 : i32
        %dma_start3A_1054 = tpu.memref_slice %dma_start3A_1051[%dma_start3A_1045, %dma_start3A_1052, %dma_start3A_1053] : memref<4x200x32xf32, #tpu.memory_space<vmem>> -> memref<1x200x32xf32, #tpu.memory_space<vmem>>
        %dma_start3A_1055 = tpu.memref_squeeze %dma_start3A_1054 : memref<1x200x32xf32, #tpu.memory_space<vmem>> -> memref<200x32xf32, #tpu.memory_space<vmem>>
        %dma_start3A_1056 = arith.constant 0 : i32
        %dma_start3A_1057 = arith.constant 0 : i32
        %dma_start3A_1058 = tpu.memref_slice %dma_start3A_1055[%dma_start3A_1056, %dma_start3A_1057] : memref<200x32xf32, #tpu.memory_space<vmem>> -> memref<104x32xf32, #tpu.memory_space<vmem>>
        %dma_start3A_1059 = arith.constant 0 : i32
        %dma_start3A_1060 = tpu.memref_slice %arg5[%add3A_1043, %dma_start3A_1059] : memref<128x200xi32, #tpu.memory_space<vmem>> -> memref<1x200xi32, #tpu.memory_space<vmem>>
        %dma_start3A_1061 = tpu.memref_squeeze %dma_start3A_1060 : memref<1x200xi32, #tpu.memory_space<vmem>> -> memref<200xi32, #tpu.memory_space<vmem>>
        %dma_start3A_1062 = arith.constant 0 : i32
        %dma_start3A_1063 = tpu.memref_slice %dma_start3A_1061[%dma_start3A_1062] : memref<200xi32, #tpu.memory_space<vmem>> -> memref<104xi32, #tpu.memory_space<vmem>>
        %dma_start3A_1064 = arith.constant 0 : i32
        %dma_start3A_1065 = arith.constant 0 : i32
        %dma_start3A_1066 = tpu.memref_slice %arg3[%dma_start3A_1064, %dma_start3A_1065] : memref<1000000x32xf32, #tpu.memory_space<hbm>> -> memref<1000000x32xf32, #tpu.memory_space<hbm>>
        %dma_start3A_1067 = tpu.memref_slice %arg7[%dma_start3A_1046] : memref<2x!tpu.dma_semaphore, #tpu.memory_space<semaphore_mem>> -> memref<1x!tpu.dma_semaphore, #tpu.memory_space<semaphore_mem>>
        %dma_start3A_1068 = tpu.memref_squeeze %dma_start3A_1067 : memref<1x!tpu.dma_semaphore, #tpu.memory_space<semaphore_mem>> -> memref<!tpu.dma_semaphore, #tpu.memory_space<semaphore_mem>>
        tpu.enqueue_indirect_dma source(%dma_start3A_1066 : memref<1000000x32xf32, #tpu.memory_space<hbm>>) target(%dma_start3A_1058 : memref<104x32xf32, #tpu.memory_space<vmem>>) offsets(%dma_start3A_1063 : memref<104xi32, #tpu.memory_space<vmem>>) semaphore(%dma_start3A_1068 : memref<!tpu.dma_semaphore, #tpu.memory_space<semaphore_mem>>)
        %mul3A_1069 = arith.constant 4 : i32
        %mul3A_1070 = arith.muli %add3A_683, %mul3A_1069 : i32
        %add3A_1071 = arith.constant 1 : i32
        %add3A_1072 = arith.addi %mul3A_1070, %add3A_1071 : i32
        %dma_start3A_1073 = arith.constant 0 : i32
        %dma_start3A_1074 = arith.constant 1 : i32
        %dma_start3A_1075 = arith.constant 0 : i32
        %dma_start3A_1076 = arith.constant 0 : i32
        %dma_start3A_1077 = arith.constant 0 : i32
        %dma_start3A_1078 = arith.constant 0 : i32
        %dma_start3A_1079 = tpu.memref_slice %arg6[%dma_start3A_1073, %dma_start3A_1076, %dma_start3A_1077, %dma_start3A_1078] : memref<2x4x200x32xf32, #tpu.memory_space<vmem>> -> memref<1x4x200x32xf32, #tpu.memory_space<vmem>>
        %dma_start3A_1080 = tpu.memref_squeeze %dma_start3A_1079 : memref<1x4x200x32xf32, #tpu.memory_space<vmem>> -> memref<4x200x32xf32, #tpu.memory_space<vmem>>
        %dma_start3A_1081 = arith.constant 0 : i32
        %dma_start3A_1082 = arith.constant 0 : i32
        %dma_start3A_1083 = tpu.memref_slice %dma_start3A_1080[%dma_start3A_1074, %dma_start3A_1081, %dma_start3A_1082] : memref<4x200x32xf32, #tpu.memory_space<vmem>> -> memref<1x200x32xf32, #tpu.memory_space<vmem>>
        %dma_start3A_1084 = tpu.memref_squeeze %dma_start3A_1083 : memref<1x200x32xf32, #tpu.memory_space<vmem>> -> memref<200x32xf32, #tpu.memory_space<vmem>>
        %dma_start3A_1085 = arith.constant 104 : i32
        %dma_start3A_1086 = arith.constant 0 : i32
        %dma_start3A_1087 = tpu.memref_slice %dma_start3A_1084[%dma_start3A_1085, %dma_start3A_1086] : memref<200x32xf32, #tpu.memory_space<vmem>> -> memref<96x32xf32, #tpu.memory_space<vmem>>
        %dma_start3A_1088 = arith.constant 0 : i32
        %dma_start3A_1089 = tpu.memref_slice %arg5[%add3A_1072, %dma_start3A_1088] : memref<128x200xi32, #tpu.memory_space<vmem>> -> memref<1x200xi32, #tpu.memory_space<vmem>>
        %dma_start3A_1090 = tpu.memref_squeeze %dma_start3A_1089 : memref<1x200xi32, #tpu.memory_space<vmem>> -> memref<200xi32, #tpu.memory_space<vmem>>
        %dma_start3A_1091 = arith.constant 104 : i32
        %dma_start3A_1092 = tpu.memref_slice %dma_start3A_1090[%dma_start3A_1091] : memref<200xi32, #tpu.memory_space<vmem>> -> memref<96xi32, #tpu.memory_space<vmem>>
        %dma_start3A_1093 = arith.constant 0 : i32
        %dma_start3A_1094 = arith.constant 0 : i32
        %dma_start3A_1095 = tpu.memref_slice %arg3[%dma_start3A_1093, %dma_start3A_1094] : memref<1000000x32xf32, #tpu.memory_space<hbm>> -> memref<1000000x32xf32, #tpu.memory_space<hbm>>
        %dma_start3A_1096 = tpu.memref_slice %arg7[%dma_start3A_1075] : memref<2x!tpu.dma_semaphore, #tpu.memory_space<semaphore_mem>> -> memref<1x!tpu.dma_semaphore, #tpu.memory_space<semaphore_mem>>
        %dma_start3A_1097 = tpu.memref_squeeze %dma_start3A_1096 : memref<1x!tpu.dma_semaphore, #tpu.memory_space<semaphore_mem>> -> memref<!tpu.dma_semaphore, #tpu.memory_space<semaphore_mem>>
        tpu.enqueue_indirect_dma source(%dma_start3A_1095 : memref<1000000x32xf32, #tpu.memory_space<hbm>>) target(%dma_start3A_1087 : memref<96x32xf32, #tpu.memory_space<vmem>>) offsets(%dma_start3A_1092 : memref<96xi32, #tpu.memory_space<vmem>>) semaphore(%dma_start3A_1097 : memref<!tpu.dma_semaphore, #tpu.memory_space<semaphore_mem>>)
        %mul3A_1098 = arith.constant 4 : i32
        %mul3A_1099 = arith.muli %add3A_683, %mul3A_1098 : i32
        %add3A_1100 = arith.constant 2 : i32
        %add3A_1101 = arith.addi %mul3A_1099, %add3A_1100 : i32
        %dma_start3A_1102 = arith.constant 0 : i32
        %dma_start3A_1103 = arith.constant 2 : i32
        %dma_start3A_1104 = arith.constant 0 : i32
        %dma_start3A_1105 = arith.constant 0 : i32
        %dma_start3A_1106 = arith.constant 0 : i32
        %dma_start3A_1107 = arith.constant 0 : i32
        %dma_start3A_1108 = tpu.memref_slice %arg6[%dma_start3A_1102, %dma_start3A_1105, %dma_start3A_1106, %dma_start3A_1107] : memref<2x4x200x32xf32, #tpu.memory_space<vmem>> -> memref<1x4x200x32xf32, #tpu.memory_space<vmem>>
        %dma_start3A_1109 = tpu.memref_squeeze %dma_start3A_1108 : memref<1x4x200x32xf32, #tpu.memory_space<vmem>> -> memref<4x200x32xf32, #tpu.memory_space<vmem>>
        %dma_start3A_1110 = arith.constant 0 : i32
        %dma_start3A_1111 = arith.constant 0 : i32
        %dma_start3A_1112 = tpu.memref_slice %dma_start3A_1109[%dma_start3A_1103, %dma_start3A_1110, %dma_start3A_1111] : memref<4x200x32xf32, #tpu.memory_space<vmem>> -> memref<1x200x32xf32, #tpu.memory_space<vmem>>
        %dma_start3A_1113 = tpu.memref_squeeze %dma_start3A_1112 : memref<1x200x32xf32, #tpu.memory_space<vmem>> -> memref<200x32xf32, #tpu.memory_space<vmem>>
        %dma_start3A_1114 = arith.constant 0 : i32
        %dma_start3A_1115 = arith.constant 0 : i32
        %dma_start3A_1116 = tpu.memref_slice %dma_start3A_1113[%dma_start3A_1114, %dma_start3A_1115] : memref<200x32xf32, #tpu.memory_space<vmem>> -> memref<104x32xf32, #tpu.memory_space<vmem>>
        %dma_start3A_1117 = arith.constant 0 : i32
        %dma_start3A_1118 = tpu.memref_slice %arg5[%add3A_1101, %dma_start3A_1117] : memref<128x200xi32, #tpu.memory_space<vmem>> -> memref<1x200xi32, #tpu.memory_space<vmem>>
        %dma_start3A_1119 = tpu.memref_squeeze %dma_start3A_1118 : memref<1x200xi32, #tpu.memory_space<vmem>> -> memref<200xi32, #tpu.memory_space<vmem>>
        %dma_start3A_1120 = arith.constant 0 : i32
        %dma_start3A_1121 = tpu.memref_slice %dma_start3A_1119[%dma_start3A_1120] : memref<200xi32, #tpu.memory_space<vmem>> -> memref<104xi32, #tpu.memory_space<vmem>>
        %dma_start3A_1122 = arith.constant 0 : i32
        %dma_start3A_1123 = arith.constant 0 : i32
        %dma_start3A_1124 = tpu.memref_slice %arg3[%dma_start3A_1122, %dma_start3A_1123] : memref<1000000x32xf32, #tpu.memory_space<hbm>> -> memref<1000000x32xf32, #tpu.memory_space<hbm>>
        %dma_start3A_1125 = tpu.memref_slice %arg7[%dma_start3A_1104] : memref<2x!tpu.dma_semaphore, #tpu.memory_space<semaphore_mem>> -> memref<1x!tpu.dma_semaphore, #tpu.memory_space<semaphore_mem>>
        %dma_start3A_1126 = tpu.memref_squeeze %dma_start3A_1125 : memref<1x!tpu.dma_semaphore, #tpu.memory_space<semaphore_mem>> -> memref<!tpu.dma_semaphore, #tpu.memory_space<semaphore_mem>>
        tpu.enqueue_indirect_dma source(%dma_start3A_1124 : memref<1000000x32xf32, #tpu.memory_space<hbm>>) target(%dma_start3A_1116 : memref<104x32xf32, #tpu.memory_space<vmem>>) offsets(%dma_start3A_1121 : memref<104xi32, #tpu.memory_space<vmem>>) semaphore(%dma_start3A_1126 : memref<!tpu.dma_semaphore, #tpu.memory_space<semaphore_mem>>)
        %mul3A_1127 = arith.constant 4 : i32
        %mul3A_1128 = arith.muli %add3A_683, %mul3A_1127 : i32
        %add3A_1129 = arith.constant 2 : i32
        %add3A_1130 = arith.addi %mul3A_1128, %add3A_1129 : i32
        %dma_start3A_1131 = arith.constant 0 : i32
        %dma_start3A_1132 = arith.constant 2 : i32
        %dma_start3A_1133 = arith.constant 0 : i32
        %dma_start3A_1134 = arith.constant 0 : i32
        %dma_start3A_1135 = arith.constant 0 : i32
        %dma_start3A_1136 = arith.constant 0 : i32
        %dma_start3A_1137 = tpu.memref_slice %arg6[%dma_start3A_1131, %dma_start3A_1134, %dma_start3A_1135, %dma_start3A_1136] : memref<2x4x200x32xf32, #tpu.memory_space<vmem>> -> memref<1x4x200x32xf32, #tpu.memory_space<vmem>>
        %dma_start3A_1138 = tpu.memref_squeeze %dma_start3A_1137 : memref<1x4x200x32xf32, #tpu.memory_space<vmem>> -> memref<4x200x32xf32, #tpu.memory_space<vmem>>
        %dma_start3A_1139 = arith.constant 0 : i32
        %dma_start3A_1140 = arith.constant 0 : i32
        %dma_start3A_1141 = tpu.memref_slice %dma_start3A_1138[%dma_start3A_1132, %dma_start3A_1139, %dma_start3A_1140] : memref<4x200x32xf32, #tpu.memory_space<vmem>> -> memref<1x200x32xf32, #tpu.memory_space<vmem>>
        %dma_start3A_1142 = tpu.memref_squeeze %dma_start3A_1141 : memref<1x200x32xf32, #tpu.memory_space<vmem>> -> memref<200x32xf32, #tpu.memory_space<vmem>>
        %dma_start3A_1143 = arith.constant 104 : i32
        %dma_start3A_1144 = arith.constant 0 : i32
        %dma_start3A_1145 = tpu.memref_slice %dma_start3A_1142[%dma_start3A_1143, %dma_start3A_1144] : memref<200x32xf32, #tpu.memory_space<vmem>> -> memref<96x32xf32, #tpu.memory_space<vmem>>
        %dma_start3A_1146 = arith.constant 0 : i32
        %dma_start3A_1147 = tpu.memref_slice %arg5[%add3A_1130, %dma_start3A_1146] : memref<128x200xi32, #tpu.memory_space<vmem>> -> memref<1x200xi32, #tpu.memory_space<vmem>>
        %dma_start3A_1148 = tpu.memref_squeeze %dma_start3A_1147 : memref<1x200xi32, #tpu.memory_space<vmem>> -> memref<200xi32, #tpu.memory_space<vmem>>
        %dma_start3A_1149 = arith.constant 104 : i32
        %dma_start3A_1150 = tpu.memref_slice %dma_start3A_1148[%dma_start3A_1149] : memref<200xi32, #tpu.memory_space<vmem>> -> memref<96xi32, #tpu.memory_space<vmem>>
        %dma_start3A_1151 = arith.constant 0 : i32
        %dma_start3A_1152 = arith.constant 0 : i32
        %dma_start3A_1153 = tpu.memref_slice %arg3[%dma_start3A_1151, %dma_start3A_1152] : memref<1000000x32xf32, #tpu.memory_space<hbm>> -> memref<1000000x32xf32, #tpu.memory_space<hbm>>
        %dma_start3A_1154 = tpu.memref_slice %arg7[%dma_start3A_1133] : memref<2x!tpu.dma_semaphore, #tpu.memory_space<semaphore_mem>> -> memref<1x!tpu.dma_semaphore, #tpu.memory_space<semaphore_mem>>
        %dma_start3A_1155 = tpu.memref_squeeze %dma_start3A_1154 : memref<1x!tpu.dma_semaphore, #tpu.memory_space<semaphore_mem>> -> memref<!tpu.dma_semaphore, #tpu.memory_space<semaphore_mem>>
        tpu.enqueue_indirect_dma source(%dma_start3A_1153 : memref<1000000x32xf32, #tpu.memory_space<hbm>>) target(%dma_start3A_1145 : memref<96x32xf32, #tpu.memory_space<vmem>>) offsets(%dma_start3A_1150 : memref<96xi32, #tpu.memory_space<vmem>>) semaphore(%dma_start3A_1155 : memref<!tpu.dma_semaphore, #tpu.memory_space<semaphore_mem>>)
        %mul3A_1156 = arith.constant 4 : i32
        %mul3A_1157 = arith.muli %add3A_683, %mul3A_1156 : i32
        %add3A_1158 = arith.constant 3 : i32
        %add3A_1159 = arith.addi %mul3A_1157, %add3A_1158 : i32
        %dma_start3A_1160 = arith.constant 0 : i32
        %dma_start3A_1161 = arith.constant 3 : i32
        %dma_start3A_1162 = arith.constant 0 : i32
        %dma_start3A_1163 = arith.constant 0 : i32
        %dma_start3A_1164 = arith.constant 0 : i32
        %dma_start3A_1165 = arith.constant 0 : i32
        %dma_start3A_1166 = tpu.memref_slice %arg6[%dma_start3A_1160, %dma_start3A_1163, %dma_start3A_1164, %dma_start3A_1165] : memref<2x4x200x32xf32, #tpu.memory_space<vmem>> -> memref<1x4x200x32xf32, #tpu.memory_space<vmem>>
        %dma_start3A_1167 = tpu.memref_squeeze %dma_start3A_1166 : memref<1x4x200x32xf32, #tpu.memory_space<vmem>> -> memref<4x200x32xf32, #tpu.memory_space<vmem>>
        %dma_start3A_1168 = arith.constant 0 : i32
        %dma_start3A_1169 = arith.constant 0 : i32
        %dma_start3A_1170 = tpu.memref_slice %dma_start3A_1167[%dma_start3A_1161, %dma_start3A_1168, %dma_start3A_1169] : memref<4x200x32xf32, #tpu.memory_space<vmem>> -> memref<1x200x32xf32, #tpu.memory_space<vmem>>
        %dma_start3A_1171 = tpu.memref_squeeze %dma_start3A_1170 : memref<1x200x32xf32, #tpu.memory_space<vmem>> -> memref<200x32xf32, #tpu.memory_space<vmem>>
        %dma_start3A_1172 = arith.constant 0 : i32
        %dma_start3A_1173 = arith.constant 0 : i32
        %dma_start3A_1174 = tpu.memref_slice %dma_start3A_1171[%dma_start3A_1172, %dma_start3A_1173] : memref<200x32xf32, #tpu.memory_space<vmem>> -> memref<104x32xf32, #tpu.memory_space<vmem>>
        %dma_start3A_1175 = arith.constant 0 : i32
        %dma_start3A_1176 = tpu.memref_slice %arg5[%add3A_1159, %dma_start3A_1175] : memref<128x200xi32, #tpu.memory_space<vmem>> -> memref<1x200xi32, #tpu.memory_space<vmem>>
        %dma_start3A_1177 = tpu.memref_squeeze %dma_start3A_1176 : memref<1x200xi32, #tpu.memory_space<vmem>> -> memref<200xi32, #tpu.memory_space<vmem>>
        %dma_start3A_1178 = arith.constant 0 : i32
        %dma_start3A_1179 = tpu.memref_slice %dma_start3A_1177[%dma_start3A_1178] : memref<200xi32, #tpu.memory_space<vmem>> -> memref<104xi32, #tpu.memory_space<vmem>>
        %dma_start3A_1180 = arith.constant 0 : i32
        %dma_start3A_1181 = arith.constant 0 : i32
        %dma_start3A_1182 = tpu.memref_slice %arg3[%dma_start3A_1180, %dma_start3A_1181] : memref<1000000x32xf32, #tpu.memory_space<hbm>> -> memref<1000000x32xf32, #tpu.memory_space<hbm>>
        %dma_start3A_1183 = tpu.memref_slice %arg7[%dma_start3A_1162] : memref<2x!tpu.dma_semaphore, #tpu.memory_space<semaphore_mem>> -> memref<1x!tpu.dma_semaphore, #tpu.memory_space<semaphore_mem>>
        %dma_start3A_1184 = tpu.memref_squeeze %dma_start3A_1183 : memref<1x!tpu.dma_semaphore, #tpu.memory_space<semaphore_mem>> -> memref<!tpu.dma_semaphore, #tpu.memory_space<semaphore_mem>>
        tpu.enqueue_indirect_dma source(%dma_start3A_1182 : memref<1000000x32xf32, #tpu.memory_space<hbm>>) target(%dma_start3A_1174 : memref<104x32xf32, #tpu.memory_space<vmem>>) offsets(%dma_start3A_1179 : memref<104xi32, #tpu.memory_space<vmem>>) semaphore(%dma_start3A_1184 : memref<!tpu.dma_semaphore, #tpu.memory_space<semaphore_mem>>)
        %mul3A_1185 = arith.constant 4 : i32
        %mul3A_1186 = arith.muli %add3A_683, %mul3A_1185 : i32
        %add3A_1187 = arith.constant 3 : i32
        %add3A_1188 = arith.addi %mul3A_1186, %add3A_1187 : i32
        %dma_start3A_1189 = arith.constant 0 : i32
        %dma_start3A_1190 = arith.constant 3 : i32
        %dma_start3A_1191 = arith.constant 0 : i32
        %dma_start3A_1192 = arith.constant 0 : i32
        %dma_start3A_1193 = arith.constant 0 : i32
        %dma_start3A_1194 = arith.constant 0 : i32
        %dma_start3A_1195 = tpu.memref_slice %arg6[%dma_start3A_1189, %dma_start3A_1192, %dma_start3A_1193, %dma_start3A_1194] : memref<2x4x200x32xf32, #tpu.memory_space<vmem>> -> memref<1x4x200x32xf32, #tpu.memory_space<vmem>>
        %dma_start3A_1196 = tpu.memref_squeeze %dma_start3A_1195 : memref<1x4x200x32xf32, #tpu.memory_space<vmem>> -> memref<4x200x32xf32, #tpu.memory_space<vmem>>
        %dma_start3A_1197 = arith.constant 0 : i32
        %dma_start3A_1198 = arith.constant 0 : i32
        %dma_start3A_1199 = tpu.memref_slice %dma_start3A_1196[%dma_start3A_1190, %dma_start3A_1197, %dma_start3A_1198] : memref<4x200x32xf32, #tpu.memory_space<vmem>> -> memref<1x200x32xf32, #tpu.memory_space<vmem>>
        %dma_start3A_1200 = tpu.memref_squeeze %dma_start3A_1199 : memref<1x200x32xf32, #tpu.memory_space<vmem>> -> memref<200x32xf32, #tpu.memory_space<vmem>>
        %dma_start3A_1201 = arith.constant 104 : i32
        %dma_start3A_1202 = arith.constant 0 : i32
        %dma_start3A_1203 = tpu.memref_slice %dma_start3A_1200[%dma_start3A_1201, %dma_start3A_1202] : memref<200x32xf32, #tpu.memory_space<vmem>> -> memref<96x32xf32, #tpu.memory_space<vmem>>
        %dma_start3A_1204 = arith.constant 0 : i32
        %dma_start3A_1205 = tpu.memref_slice %arg5[%add3A_1188, %dma_start3A_1204] : memref<128x200xi32, #tpu.memory_space<vmem>> -> memref<1x200xi32, #tpu.memory_space<vmem>>
        %dma_start3A_1206 = tpu.memref_squeeze %dma_start3A_1205 : memref<1x200xi32, #tpu.memory_space<vmem>> -> memref<200xi32, #tpu.memory_space<vmem>>
        %dma_start3A_1207 = arith.constant 104 : i32
        %dma_start3A_1208 = tpu.memref_slice %dma_start3A_1206[%dma_start3A_1207] : memref<200xi32, #tpu.memory_space<vmem>> -> memref<96xi32, #tpu.memory_space<vmem>>
        %dma_start3A_1209 = arith.constant 0 : i32
        %dma_start3A_1210 = arith.constant 0 : i32
        %dma_start3A_1211 = tpu.memref_slice %arg3[%dma_start3A_1209, %dma_start3A_1210] : memref<1000000x32xf32, #tpu.memory_space<hbm>> -> memref<1000000x32xf32, #tpu.memory_space<hbm>>
        %dma_start3A_1212 = tpu.memref_slice %arg7[%dma_start3A_1191] : memref<2x!tpu.dma_semaphore, #tpu.memory_space<semaphore_mem>> -> memref<1x!tpu.dma_semaphore, #tpu.memory_space<semaphore_mem>>
        %dma_start3A_1213 = tpu.memref_squeeze %dma_start3A_1212 : memref<1x!tpu.dma_semaphore, #tpu.memory_space<semaphore_mem>> -> memref<!tpu.dma_semaphore, #tpu.memory_space<semaphore_mem>>
        tpu.enqueue_indirect_dma source(%dma_start3A_1211 : memref<1000000x32xf32, #tpu.memory_space<hbm>>) target(%dma_start3A_1203 : memref<96x32xf32, #tpu.memory_space<vmem>>) offsets(%dma_start3A_1208 : memref<96xi32, #tpu.memory_space<vmem>>) semaphore(%dma_start3A_1213 : memref<!tpu.dma_semaphore, #tpu.memory_space<semaphore_mem>>)
      } else {
      }
      %ge3A = arith.constant 32 : i32
      %ge3A_686 = arith.cmpi sge, %add3A_683, %ge3A : i32
      %convert_element_type3A_687 = arith.extui %ge3A_686 : i1 to i32
      %cond3A_688 = arith.constant 0 : i32
      %cond3A_689 = arith.cmpi ne, %convert_element_type3A_687, %cond3A_688 : i32
      scf.if %cond3A_689 {
        %mul3A_959 = arith.constant 4 : i32
        %mul3A_960 = arith.muli %add3A_427, %mul3A_959 : i32
        %add3A_961 = arith.addi %mul3A_2, %mul3A_960 : i32
        %dma_wait3A_962 = arith.constant 0 : i32
        %dma_wait3A_963 = arith.constant 0 : i32
        %dma_wait3A_964 = arith.constant 0 : i32
        %dma_wait3A_965 = arith.constant 0 : i32
        %dma_wait3A_966 = arith.constant 0 : i32
        %dma_wait3A_967 = tpu.memref_slice %arg6[%dma_wait3A_962, %dma_wait3A_964, %dma_wait3A_965, %dma_wait3A_966] : memref<2x4x200x32xf32, #tpu.memory_space<vmem>> -> memref<1x4x200x32xf32, #tpu.memory_space<vmem>>
        %dma_wait3A_968 = tpu.memref_squeeze %dma_wait3A_967 : memref<1x4x200x32xf32, #tpu.memory_space<vmem>> -> memref<4x200x32xf32, #tpu.memory_space<vmem>>
        %dma_wait3A_969 = arith.constant 0 : i32
        %dma_wait3A_970 = arith.constant 0 : i32
        %dma_wait3A_971 = tpu.memref_slice %arg4[%add3A_961, %dma_wait3A_969, %dma_wait3A_970] : memref<4096x200x32xf32, #tpu.memory_space<hbm>> -> memref<4x200x32xf32, #tpu.memory_space<hbm>>
        %dma_wait3A_972 = tpu.memref_slice %arg8[%dma_wait3A_963] : memref<2x!tpu.dma_semaphore, #tpu.memory_space<semaphore_mem>> -> memref<1x!tpu.dma_semaphore, #tpu.memory_space<semaphore_mem>>
        %dma_wait3A_973 = tpu.memref_squeeze %dma_wait3A_972 : memref<1x!tpu.dma_semaphore, #tpu.memory_space<semaphore_mem>> -> memref<!tpu.dma_semaphore, #tpu.memory_space<semaphore_mem>>
        %dma_wait3A_974 = arith.constant 0 : i32
        %dma_wait3A_975 = arith.constant 0 : i32
        %dma_wait3A_976 = tpu.memref_slice %arg4[%add3A_961, %dma_wait3A_974, %dma_wait3A_975] : memref<4096x200x32xf32, #tpu.memory_space<hbm>> -> memref<4x200x32xf32, #tpu.memory_space<hbm>>
        %dma_wait3A_977 = arith.constant 0 : i32
        %dma_wait3A_978 = arith.constant 0 : i32
        %dma_wait3A_979 = arith.constant 0 : i32
        %dma_wait3A_980 = tpu.memref_slice %arg6[%dma_wait3A_962, %dma_wait3A_977, %dma_wait3A_978, %dma_wait3A_979] : memref<2x4x200x32xf32, #tpu.memory_space<vmem>> -> memref<1x4x200x32xf32, #tpu.memory_space<vmem>>
        %dma_wait3A_981 = tpu.memref_squeeze %dma_wait3A_980 : memref<1x4x200x32xf32, #tpu.memory_space<vmem>> -> memref<4x200x32xf32, #tpu.memory_space<vmem>>
        tpu.wait_dma2 semaphore(%dma_wait3A_973 : memref<!tpu.dma_semaphore, #tpu.memory_space<semaphore_mem>>) src(%dma_wait3A_981 : memref<4x200x32xf32, #tpu.memory_space<vmem>>) dst(%dma_wait3A_976 : memref<4x200x32xf32, #tpu.memory_space<hbm>>)
      } else {
      }
      %add3A_690 = arith.constant 1 : i32
      %add3A_691 = arith.addi %mul3A_425, %add3A_690 : i32
      %mul3A_692 = arith.constant 4 : i32
      %mul3A_693 = arith.muli %add3A_691, %mul3A_692 : i32
      %add3A_694 = arith.constant 0 : i32
      %add3A_695 = arith.addi %mul3A_693, %add3A_694 : i32
      %dma_wait3A_696 = arith.constant 1 : i32
      %dma_wait3A_697 = arith.constant 0 : i32
      %dma_wait3A_698 = arith.constant 1 : i32
      %dma_wait3A_699 = arith.constant 0 : i32
      %dma_wait3A_700 = arith.constant 0 : i32
      %dma_wait3A_701 = arith.constant 0 : i32
      %dma_wait3A_702 = tpu.memref_slice %arg6[%dma_wait3A_696, %dma_wait3A_699, %dma_wait3A_700, %dma_wait3A_701] : memref<2x4x200x32xf32, #tpu.memory_space<vmem>> -> memref<1x4x200x32xf32, #tpu.memory_space<vmem>>
      %dma_wait3A_703 = tpu.memref_squeeze %dma_wait3A_702 : memref<1x4x200x32xf32, #tpu.memory_space<vmem>> -> memref<4x200x32xf32, #tpu.memory_space<vmem>>
      %dma_wait3A_704 = arith.constant 0 : i32
      %dma_wait3A_705 = arith.constant 0 : i32
      %dma_wait3A_706 = tpu.memref_slice %dma_wait3A_703[%dma_wait3A_697, %dma_wait3A_704, %dma_wait3A_705] : memref<4x200x32xf32, #tpu.memory_space<vmem>> -> memref<1x200x32xf32, #tpu.memory_space<vmem>>
      %dma_wait3A_707 = tpu.memref_squeeze %dma_wait3A_706 : memref<1x200x32xf32, #tpu.memory_space<vmem>> -> memref<200x32xf32, #tpu.memory_space<vmem>>
      %dma_wait3A_708 = arith.constant 0 : i32
      %dma_wait3A_709 = arith.constant 0 : i32
      %dma_wait3A_710 = tpu.memref_slice %dma_wait3A_707[%dma_wait3A_708, %dma_wait3A_709] : memref<200x32xf32, #tpu.memory_space<vmem>> -> memref<104x32xf32, #tpu.memory_space<vmem>>
      %dma_wait3A_711 = arith.constant 0 : i32
      %dma_wait3A_712 = tpu.memref_slice %arg5[%add3A_695, %dma_wait3A_711] : memref<128x200xi32, #tpu.memory_space<vmem>> -> memref<1x200xi32, #tpu.memory_space<vmem>>
      %dma_wait3A_713 = tpu.memref_squeeze %dma_wait3A_712 : memref<1x200xi32, #tpu.memory_space<vmem>> -> memref<200xi32, #tpu.memory_space<vmem>>
      %dma_wait3A_714 = arith.constant 0 : i32
      %dma_wait3A_715 = tpu.memref_slice %dma_wait3A_713[%dma_wait3A_714] : memref<200xi32, #tpu.memory_space<vmem>> -> memref<104xi32, #tpu.memory_space<vmem>>
      %dma_wait3A_716 = arith.constant 0 : i32
      %dma_wait3A_717 = arith.constant 0 : i32
      %dma_wait3A_718 = tpu.memref_slice %arg3[%dma_wait3A_716, %dma_wait3A_717] : memref<1000000x32xf32, #tpu.memory_space<hbm>> -> memref<1000000x32xf32, #tpu.memory_space<hbm>>
      %dma_wait3A_719 = tpu.memref_slice %arg7[%dma_wait3A_698] : memref<2x!tpu.dma_semaphore, #tpu.memory_space<semaphore_mem>> -> memref<1x!tpu.dma_semaphore, #tpu.memory_space<semaphore_mem>>
      %dma_wait3A_720 = tpu.memref_squeeze %dma_wait3A_719 : memref<1x!tpu.dma_semaphore, #tpu.memory_space<semaphore_mem>> -> memref<!tpu.dma_semaphore, #tpu.memory_space<semaphore_mem>>
      tpu.wait_indirect_dma semaphore(%dma_wait3A_720 : memref<!tpu.dma_semaphore, #tpu.memory_space<semaphore_mem>>) src(%dma_wait3A_718 : memref<1000000x32xf32, #tpu.memory_space<hbm>>) dst(%dma_wait3A_710 : memref<104x32xf32, #tpu.memory_space<vmem>>)
      %mul3A_721 = arith.constant 4 : i32
      %mul3A_722 = arith.muli %add3A_691, %mul3A_721 : i32
      %add3A_723 = arith.constant 0 : i32
      %add3A_724 = arith.addi %mul3A_722, %add3A_723 : i32
      %dma_wait3A_725 = arith.constant 1 : i32
      %dma_wait3A_726 = arith.constant 0 : i32
      %dma_wait3A_727 = arith.constant 1 : i32
      %dma_wait3A_728 = arith.constant 0 : i32
      %dma_wait3A_729 = arith.constant 0 : i32
      %dma_wait3A_730 = arith.constant 0 : i32
      %dma_wait3A_731 = tpu.memref_slice %arg6[%dma_wait3A_725, %dma_wait3A_728, %dma_wait3A_729, %dma_wait3A_730] : memref<2x4x200x32xf32, #tpu.memory_space<vmem>> -> memref<1x4x200x32xf32, #tpu.memory_space<vmem>>
      %dma_wait3A_732 = tpu.memref_squeeze %dma_wait3A_731 : memref<1x4x200x32xf32, #tpu.memory_space<vmem>> -> memref<4x200x32xf32, #tpu.memory_space<vmem>>
      %dma_wait3A_733 = arith.constant 0 : i32
      %dma_wait3A_734 = arith.constant 0 : i32
      %dma_wait3A_735 = tpu.memref_slice %dma_wait3A_732[%dma_wait3A_726, %dma_wait3A_733, %dma_wait3A_734] : memref<4x200x32xf32, #tpu.memory_space<vmem>> -> memref<1x200x32xf32, #tpu.memory_space<vmem>>
      %dma_wait3A_736 = tpu.memref_squeeze %dma_wait3A_735 : memref<1x200x32xf32, #tpu.memory_space<vmem>> -> memref<200x32xf32, #tpu.memory_space<vmem>>
      %dma_wait3A_737 = arith.constant 104 : i32
      %dma_wait3A_738 = arith.constant 0 : i32
      %dma_wait3A_739 = tpu.memref_slice %dma_wait3A_736[%dma_wait3A_737, %dma_wait3A_738] : memref<200x32xf32, #tpu.memory_space<vmem>> -> memref<96x32xf32, #tpu.memory_space<vmem>>
      %dma_wait3A_740 = arith.constant 0 : i32
      %dma_wait3A_741 = tpu.memref_slice %arg5[%add3A_724, %dma_wait3A_740] : memref<128x200xi32, #tpu.memory_space<vmem>> -> memref<1x200xi32, #tpu.memory_space<vmem>>
      %dma_wait3A_742 = tpu.memref_squeeze %dma_wait3A_741 : memref<1x200xi32, #tpu.memory_space<vmem>> -> memref<200xi32, #tpu.memory_space<vmem>>
      %dma_wait3A_743 = arith.constant 104 : i32
      %dma_wait3A_744 = tpu.memref_slice %dma_wait3A_742[%dma_wait3A_743] : memref<200xi32, #tpu.memory_space<vmem>> -> memref<96xi32, #tpu.memory_space<vmem>>
      %dma_wait3A_745 = arith.constant 0 : i32
      %dma_wait3A_746 = arith.constant 0 : i32
      %dma_wait3A_747 = tpu.memref_slice %arg3[%dma_wait3A_745, %dma_wait3A_746] : memref<1000000x32xf32, #tpu.memory_space<hbm>> -> memref<1000000x32xf32, #tpu.memory_space<hbm>>
      %dma_wait3A_748 = tpu.memref_slice %arg7[%dma_wait3A_727] : memref<2x!tpu.dma_semaphore, #tpu.memory_space<semaphore_mem>> -> memref<1x!tpu.dma_semaphore, #tpu.memory_space<semaphore_mem>>
      %dma_wait3A_749 = tpu.memref_squeeze %dma_wait3A_748 : memref<1x!tpu.dma_semaphore, #tpu.memory_space<semaphore_mem>> -> memref<!tpu.dma_semaphore, #tpu.memory_space<semaphore_mem>>
      tpu.wait_indirect_dma semaphore(%dma_wait3A_749 : memref<!tpu.dma_semaphore, #tpu.memory_space<semaphore_mem>>) src(%dma_wait3A_747 : memref<1000000x32xf32, #tpu.memory_space<hbm>>) dst(%dma_wait3A_739 : memref<96x32xf32, #tpu.memory_space<vmem>>)
      %mul3A_750 = arith.constant 4 : i32
      %mul3A_751 = arith.muli %add3A_691, %mul3A_750 : i32
      %add3A_752 = arith.constant 1 : i32
      %add3A_753 = arith.addi %mul3A_751, %add3A_752 : i32
      %dma_wait3A_754 = arith.constant 1 : i32
      %dma_wait3A_755 = arith.constant 1 : i32
      %dma_wait3A_756 = arith.constant 1 : i32
      %dma_wait3A_757 = arith.constant 0 : i32
      %dma_wait3A_758 = arith.constant 0 : i32
      %dma_wait3A_759 = arith.constant 0 : i32
      %dma_wait3A_760 = tpu.memref_slice %arg6[%dma_wait3A_754, %dma_wait3A_757, %dma_wait3A_758, %dma_wait3A_759] : memref<2x4x200x32xf32, #tpu.memory_space<vmem>> -> memref<1x4x200x32xf32, #tpu.memory_space<vmem>>
      %dma_wait3A_761 = tpu.memref_squeeze %dma_wait3A_760 : memref<1x4x200x32xf32, #tpu.memory_space<vmem>> -> memref<4x200x32xf32, #tpu.memory_space<vmem>>
      %dma_wait3A_762 = arith.constant 0 : i32
      %dma_wait3A_763 = arith.constant 0 : i32
      %dma_wait3A_764 = tpu.memref_slice %dma_wait3A_761[%dma_wait3A_755, %dma_wait3A_762, %dma_wait3A_763] : memref<4x200x32xf32, #tpu.memory_space<vmem>> -> memref<1x200x32xf32, #tpu.memory_space<vmem>>
      %dma_wait3A_765 = tpu.memref_squeeze %dma_wait3A_764 : memref<1x200x32xf32, #tpu.memory_space<vmem>> -> memref<200x32xf32, #tpu.memory_space<vmem>>
      %dma_wait3A_766 = arith.constant 0 : i32
      %dma_wait3A_767 = arith.constant 0 : i32
      %dma_wait3A_768 = tpu.memref_slice %dma_wait3A_765[%dma_wait3A_766, %dma_wait3A_767] : memref<200x32xf32, #tpu.memory_space<vmem>> -> memref<104x32xf32, #tpu.memory_space<vmem>>
      %dma_wait3A_769 = arith.constant 0 : i32
      %dma_wait3A_770 = tpu.memref_slice %arg5[%add3A_753, %dma_wait3A_769] : memref<128x200xi32, #tpu.memory_space<vmem>> -> memref<1x200xi32, #tpu.memory_space<vmem>>
      %dma_wait3A_771 = tpu.memref_squeeze %dma_wait3A_770 : memref<1x200xi32, #tpu.memory_space<vmem>> -> memref<200xi32, #tpu.memory_space<vmem>>
      %dma_wait3A_772 = arith.constant 0 : i32
      %dma_wait3A_773 = tpu.memref_slice %dma_wait3A_771[%dma_wait3A_772] : memref<200xi32, #tpu.memory_space<vmem>> -> memref<104xi32, #tpu.memory_space<vmem>>
      %dma_wait3A_774 = arith.constant 0 : i32
      %dma_wait3A_775 = arith.constant 0 : i32
      %dma_wait3A_776 = tpu.memref_slice %arg3[%dma_wait3A_774, %dma_wait3A_775] : memref<1000000x32xf32, #tpu.memory_space<hbm>> -> memref<1000000x32xf32, #tpu.memory_space<hbm>>
      %dma_wait3A_777 = tpu.memref_slice %arg7[%dma_wait3A_756] : memref<2x!tpu.dma_semaphore, #tpu.memory_space<semaphore_mem>> -> memref<1x!tpu.dma_semaphore, #tpu.memory_space<semaphore_mem>>
      %dma_wait3A_778 = tpu.memref_squeeze %dma_wait3A_777 : memref<1x!tpu.dma_semaphore, #tpu.memory_space<semaphore_mem>> -> memref<!tpu.dma_semaphore, #tpu.memory_space<semaphore_mem>>
      tpu.wait_indirect_dma semaphore(%dma_wait3A_778 : memref<!tpu.dma_semaphore, #tpu.memory_space<semaphore_mem>>) src(%dma_wait3A_776 : memref<1000000x32xf32, #tpu.memory_space<hbm>>) dst(%dma_wait3A_768 : memref<104x32xf32, #tpu.memory_space<vmem>>)
      %mul3A_779 = arith.constant 4 : i32
      %mul3A_780 = arith.muli %add3A_691, %mul3A_779 : i32
      %add3A_781 = arith.constant 1 : i32
      %add3A_782 = arith.addi %mul3A_780, %add3A_781 : i32
      %dma_wait3A_783 = arith.constant 1 : i32
      %dma_wait3A_784 = arith.constant 1 : i32
      %dma_wait3A_785 = arith.constant 1 : i32
      %dma_wait3A_786 = arith.constant 0 : i32
      %dma_wait3A_787 = arith.constant 0 : i32
      %dma_wait3A_788 = arith.constant 0 : i32
      %dma_wait3A_789 = tpu.memref_slice %arg6[%dma_wait3A_783, %dma_wait3A_786, %dma_wait3A_787, %dma_wait3A_788] : memref<2x4x200x32xf32, #tpu.memory_space<vmem>> -> memref<1x4x200x32xf32, #tpu.memory_space<vmem>>
      %dma_wait3A_790 = tpu.memref_squeeze %dma_wait3A_789 : memref<1x4x200x32xf32, #tpu.memory_space<vmem>> -> memref<4x200x32xf32, #tpu.memory_space<vmem>>
      %dma_wait3A_791 = arith.constant 0 : i32
      %dma_wait3A_792 = arith.constant 0 : i32
      %dma_wait3A_793 = tpu.memref_slice %dma_wait3A_790[%dma_wait3A_784, %dma_wait3A_791, %dma_wait3A_792] : memref<4x200x32xf32, #tpu.memory_space<vmem>> -> memref<1x200x32xf32, #tpu.memory_space<vmem>>
      %dma_wait3A_794 = tpu.memref_squeeze %dma_wait3A_793 : memref<1x200x32xf32, #tpu.memory_space<vmem>> -> memref<200x32xf32, #tpu.memory_space<vmem>>
      %dma_wait3A_795 = arith.constant 104 : i32
      %dma_wait3A_796 = arith.constant 0 : i32
      %dma_wait3A_797 = tpu.memref_slice %dma_wait3A_794[%dma_wait3A_795, %dma_wait3A_796] : memref<200x32xf32, #tpu.memory_space<vmem>> -> memref<96x32xf32, #tpu.memory_space<vmem>>
      %dma_wait3A_798 = arith.constant 0 : i32
      %dma_wait3A_799 = tpu.memref_slice %arg5[%add3A_782, %dma_wait3A_798] : memref<128x200xi32, #tpu.memory_space<vmem>> -> memref<1x200xi32, #tpu.memory_space<vmem>>
      %dma_wait3A_800 = tpu.memref_squeeze %dma_wait3A_799 : memref<1x200xi32, #tpu.memory_space<vmem>> -> memref<200xi32, #tpu.memory_space<vmem>>
      %dma_wait3A_801 = arith.constant 104 : i32
      %dma_wait3A_802 = tpu.memref_slice %dma_wait3A_800[%dma_wait3A_801] : memref<200xi32, #tpu.memory_space<vmem>> -> memref<96xi32, #tpu.memory_space<vmem>>
      %dma_wait3A_803 = arith.constant 0 : i32
      %dma_wait3A_804 = arith.constant 0 : i32
      %dma_wait3A_805 = tpu.memref_slice %arg3[%dma_wait3A_803, %dma_wait3A_804] : memref<1000000x32xf32, #tpu.memory_space<hbm>> -> memref<1000000x32xf32, #tpu.memory_space<hbm>>
      %dma_wait3A_806 = tpu.memref_slice %arg7[%dma_wait3A_785] : memref<2x!tpu.dma_semaphore, #tpu.memory_space<semaphore_mem>> -> memref<1x!tpu.dma_semaphore, #tpu.memory_space<semaphore_mem>>
      %dma_wait3A_807 = tpu.memref_squeeze %dma_wait3A_806 : memref<1x!tpu.dma_semaphore, #tpu.memory_space<semaphore_mem>> -> memref<!tpu.dma_semaphore, #tpu.memory_space<semaphore_mem>>
      tpu.wait_indirect_dma semaphore(%dma_wait3A_807 : memref<!tpu.dma_semaphore, #tpu.memory_space<semaphore_mem>>) src(%dma_wait3A_805 : memref<1000000x32xf32, #tpu.memory_space<hbm>>) dst(%dma_wait3A_797 : memref<96x32xf32, #tpu.memory_space<vmem>>)
      %mul3A_808 = arith.constant 4 : i32
      %mul3A_809 = arith.muli %add3A_691, %mul3A_808 : i32
      %add3A_810 = arith.constant 2 : i32
      %add3A_811 = arith.addi %mul3A_809, %add3A_810 : i32
      %dma_wait3A_812 = arith.constant 1 : i32
      %dma_wait3A_813 = arith.constant 2 : i32
      %dma_wait3A_814 = arith.constant 1 : i32
      %dma_wait3A_815 = arith.constant 0 : i32
      %dma_wait3A_816 = arith.constant 0 : i32
      %dma_wait3A_817 = arith.constant 0 : i32
      %dma_wait3A_818 = tpu.memref_slice %arg6[%dma_wait3A_812, %dma_wait3A_815, %dma_wait3A_816, %dma_wait3A_817] : memref<2x4x200x32xf32, #tpu.memory_space<vmem>> -> memref<1x4x200x32xf32, #tpu.memory_space<vmem>>
      %dma_wait3A_819 = tpu.memref_squeeze %dma_wait3A_818 : memref<1x4x200x32xf32, #tpu.memory_space<vmem>> -> memref<4x200x32xf32, #tpu.memory_space<vmem>>
      %dma_wait3A_820 = arith.constant 0 : i32
      %dma_wait3A_821 = arith.constant 0 : i32
      %dma_wait3A_822 = tpu.memref_slice %dma_wait3A_819[%dma_wait3A_813, %dma_wait3A_820, %dma_wait3A_821] : memref<4x200x32xf32, #tpu.memory_space<vmem>> -> memref<1x200x32xf32, #tpu.memory_space<vmem>>
      %dma_wait3A_823 = tpu.memref_squeeze %dma_wait3A_822 : memref<1x200x32xf32, #tpu.memory_space<vmem>> -> memref<200x32xf32, #tpu.memory_space<vmem>>
      %dma_wait3A_824 = arith.constant 0 : i32
      %dma_wait3A_825 = arith.constant 0 : i32
      %dma_wait3A_826 = tpu.memref_slice %dma_wait3A_823[%dma_wait3A_824, %dma_wait3A_825] : memref<200x32xf32, #tpu.memory_space<vmem>> -> memref<104x32xf32, #tpu.memory_space<vmem>>
      %dma_wait3A_827 = arith.constant 0 : i32
      %dma_wait3A_828 = tpu.memref_slice %arg5[%add3A_811, %dma_wait3A_827] : memref<128x200xi32, #tpu.memory_space<vmem>> -> memref<1x200xi32, #tpu.memory_space<vmem>>
      %dma_wait3A_829 = tpu.memref_squeeze %dma_wait3A_828 : memref<1x200xi32, #tpu.memory_space<vmem>> -> memref<200xi32, #tpu.memory_space<vmem>>
      %dma_wait3A_830 = arith.constant 0 : i32
      %dma_wait3A_831 = tpu.memref_slice %dma_wait3A_829[%dma_wait3A_830] : memref<200xi32, #tpu.memory_space<vmem>> -> memref<104xi32, #tpu.memory_space<vmem>>
      %dma_wait3A_832 = arith.constant 0 : i32
      %dma_wait3A_833 = arith.constant 0 : i32
      %dma_wait3A_834 = tpu.memref_slice %arg3[%dma_wait3A_832, %dma_wait3A_833] : memref<1000000x32xf32, #tpu.memory_space<hbm>> -> memref<1000000x32xf32, #tpu.memory_space<hbm>>
      %dma_wait3A_835 = tpu.memref_slice %arg7[%dma_wait3A_814] : memref<2x!tpu.dma_semaphore, #tpu.memory_space<semaphore_mem>> -> memref<1x!tpu.dma_semaphore, #tpu.memory_space<semaphore_mem>>
      %dma_wait3A_836 = tpu.memref_squeeze %dma_wait3A_835 : memref<1x!tpu.dma_semaphore, #tpu.memory_space<semaphore_mem>> -> memref<!tpu.dma_semaphore, #tpu.memory_space<semaphore_mem>>
      tpu.wait_indirect_dma semaphore(%dma_wait3A_836 : memref<!tpu.dma_semaphore, #tpu.memory_space<semaphore_mem>>) src(%dma_wait3A_834 : memref<1000000x32xf32, #tpu.memory_space<hbm>>) dst(%dma_wait3A_826 : memref<104x32xf32, #tpu.memory_space<vmem>>)
      %mul3A_837 = arith.constant 4 : i32
      %mul3A_838 = arith.muli %add3A_691, %mul3A_837 : i32
      %add3A_839 = arith.constant 2 : i32
      %add3A_840 = arith.addi %mul3A_838, %add3A_839 : i32
      %dma_wait3A_841 = arith.constant 1 : i32
      %dma_wait3A_842 = arith.constant 2 : i32
      %dma_wait3A_843 = arith.constant 1 : i32
      %dma_wait3A_844 = arith.constant 0 : i32
      %dma_wait3A_845 = arith.constant 0 : i32
      %dma_wait3A_846 = arith.constant 0 : i32
      %dma_wait3A_847 = tpu.memref_slice %arg6[%dma_wait3A_841, %dma_wait3A_844, %dma_wait3A_845, %dma_wait3A_846] : memref<2x4x200x32xf32, #tpu.memory_space<vmem>> -> memref<1x4x200x32xf32, #tpu.memory_space<vmem>>
      %dma_wait3A_848 = tpu.memref_squeeze %dma_wait3A_847 : memref<1x4x200x32xf32, #tpu.memory_space<vmem>> -> memref<4x200x32xf32, #tpu.memory_space<vmem>>
      %dma_wait3A_849 = arith.constant 0 : i32
      %dma_wait3A_850 = arith.constant 0 : i32
      %dma_wait3A_851 = tpu.memref_slice %dma_wait3A_848[%dma_wait3A_842, %dma_wait3A_849, %dma_wait3A_850] : memref<4x200x32xf32, #tpu.memory_space<vmem>> -> memref<1x200x32xf32, #tpu.memory_space<vmem>>
      %dma_wait3A_852 = tpu.memref_squeeze %dma_wait3A_851 : memref<1x200x32xf32, #tpu.memory_space<vmem>> -> memref<200x32xf32, #tpu.memory_space<vmem>>
      %dma_wait3A_853 = arith.constant 104 : i32
      %dma_wait3A_854 = arith.constant 0 : i32
      %dma_wait3A_855 = tpu.memref_slice %dma_wait3A_852[%dma_wait3A_853, %dma_wait3A_854] : memref<200x32xf32, #tpu.memory_space<vmem>> -> memref<96x32xf32, #tpu.memory_space<vmem>>
      %dma_wait3A_856 = arith.constant 0 : i32
      %dma_wait3A_857 = tpu.memref_slice %arg5[%add3A_840, %dma_wait3A_856] : memref<128x200xi32, #tpu.memory_space<vmem>> -> memref<1x200xi32, #tpu.memory_space<vmem>>
      %dma_wait3A_858 = tpu.memref_squeeze %dma_wait3A_857 : memref<1x200xi32, #tpu.memory_space<vmem>> -> memref<200xi32, #tpu.memory_space<vmem>>
      %dma_wait3A_859 = arith.constant 104 : i32
      %dma_wait3A_860 = tpu.memref_slice %dma_wait3A_858[%dma_wait3A_859] : memref<200xi32, #tpu.memory_space<vmem>> -> memref<96xi32, #tpu.memory_space<vmem>>
      %dma_wait3A_861 = arith.constant 0 : i32
      %dma_wait3A_862 = arith.constant 0 : i32
      %dma_wait3A_863 = tpu.memref_slice %arg3[%dma_wait3A_861, %dma_wait3A_862] : memref<1000000x32xf32, #tpu.memory_space<hbm>> -> memref<1000000x32xf32, #tpu.memory_space<hbm>>
      %dma_wait3A_864 = tpu.memref_slice %arg7[%dma_wait3A_843] : memref<2x!tpu.dma_semaphore, #tpu.memory_space<semaphore_mem>> -> memref<1x!tpu.dma_semaphore, #tpu.memory_space<semaphore_mem>>
      %dma_wait3A_865 = tpu.memref_squeeze %dma_wait3A_864 : memref<1x!tpu.dma_semaphore, #tpu.memory_space<semaphore_mem>> -> memref<!tpu.dma_semaphore, #tpu.memory_space<semaphore_mem>>
      tpu.wait_indirect_dma semaphore(%dma_wait3A_865 : memref<!tpu.dma_semaphore, #tpu.memory_space<semaphore_mem>>) src(%dma_wait3A_863 : memref<1000000x32xf32, #tpu.memory_space<hbm>>) dst(%dma_wait3A_855 : memref<96x32xf32, #tpu.memory_space<vmem>>)
      %mul3A_866 = arith.constant 4 : i32
      %mul3A_867 = arith.muli %add3A_691, %mul3A_866 : i32
      %add3A_868 = arith.constant 3 : i32
      %add3A_869 = arith.addi %mul3A_867, %add3A_868 : i32
      %dma_wait3A_870 = arith.constant 1 : i32
      %dma_wait3A_871 = arith.constant 3 : i32
      %dma_wait3A_872 = arith.constant 1 : i32
      %dma_wait3A_873 = arith.constant 0 : i32
      %dma_wait3A_874 = arith.constant 0 : i32
      %dma_wait3A_875 = arith.constant 0 : i32
      %dma_wait3A_876 = tpu.memref_slice %arg6[%dma_wait3A_870, %dma_wait3A_873, %dma_wait3A_874, %dma_wait3A_875] : memref<2x4x200x32xf32, #tpu.memory_space<vmem>> -> memref<1x4x200x32xf32, #tpu.memory_space<vmem>>
      %dma_wait3A_877 = tpu.memref_squeeze %dma_wait3A_876 : memref<1x4x200x32xf32, #tpu.memory_space<vmem>> -> memref<4x200x32xf32, #tpu.memory_space<vmem>>
      %dma_wait3A_878 = arith.constant 0 : i32
      %dma_wait3A_879 = arith.constant 0 : i32
      %dma_wait3A_880 = tpu.memref_slice %dma_wait3A_877[%dma_wait3A_871, %dma_wait3A_878, %dma_wait3A_879] : memref<4x200x32xf32, #tpu.memory_space<vmem>> -> memref<1x200x32xf32, #tpu.memory_space<vmem>>
      %dma_wait3A_881 = tpu.memref_squeeze %dma_wait3A_880 : memref<1x200x32xf32, #tpu.memory_space<vmem>> -> memref<200x32xf32, #tpu.memory_space<vmem>>
      %dma_wait3A_882 = arith.constant 0 : i32
      %dma_wait3A_883 = arith.constant 0 : i32
      %dma_wait3A_884 = tpu.memref_slice %dma_wait3A_881[%dma_wait3A_882, %dma_wait3A_883] : memref<200x32xf32, #tpu.memory_space<vmem>> -> memref<104x32xf32, #tpu.memory_space<vmem>>
      %dma_wait3A_885 = arith.constant 0 : i32
      %dma_wait3A_886 = tpu.memref_slice %arg5[%add3A_869, %dma_wait3A_885] : memref<128x200xi32, #tpu.memory_space<vmem>> -> memref<1x200xi32, #tpu.memory_space<vmem>>
      %dma_wait3A_887 = tpu.memref_squeeze %dma_wait3A_886 : memref<1x200xi32, #tpu.memory_space<vmem>> -> memref<200xi32, #tpu.memory_space<vmem>>
      %dma_wait3A_888 = arith.constant 0 : i32
      %dma_wait3A_889 = tpu.memref_slice %dma_wait3A_887[%dma_wait3A_888] : memref<200xi32, #tpu.memory_space<vmem>> -> memref<104xi32, #tpu.memory_space<vmem>>
      %dma_wait3A_890 = arith.constant 0 : i32
      %dma_wait3A_891 = arith.constant 0 : i32
      %dma_wait3A_892 = tpu.memref_slice %arg3[%dma_wait3A_890, %dma_wait3A_891] : memref<1000000x32xf32, #tpu.memory_space<hbm>> -> memref<1000000x32xf32, #tpu.memory_space<hbm>>
      %dma_wait3A_893 = tpu.memref_slice %arg7[%dma_wait3A_872] : memref<2x!tpu.dma_semaphore, #tpu.memory_space<semaphore_mem>> -> memref<1x!tpu.dma_semaphore, #tpu.memory_space<semaphore_mem>>
      %dma_wait3A_894 = tpu.memref_squeeze %dma_wait3A_893 : memref<1x!tpu.dma_semaphore, #tpu.memory_space<semaphore_mem>> -> memref<!tpu.dma_semaphore, #tpu.memory_space<semaphore_mem>>
      tpu.wait_indirect_dma semaphore(%dma_wait3A_894 : memref<!tpu.dma_semaphore, #tpu.memory_space<semaphore_mem>>) src(%dma_wait3A_892 : memref<1000000x32xf32, #tpu.memory_space<hbm>>) dst(%dma_wait3A_884 : memref<104x32xf32, #tpu.memory_space<vmem>>)
      %mul3A_895 = arith.constant 4 : i32
      %mul3A_896 = arith.muli %add3A_691, %mul3A_895 : i32
      %add3A_897 = arith.constant 3 : i32
      %add3A_898 = arith.addi %mul3A_896, %add3A_897 : i32
      %dma_wait3A_899 = arith.constant 1 : i32
      %dma_wait3A_900 = arith.constant 3 : i32
      %dma_wait3A_901 = arith.constant 1 : i32
      %dma_wait3A_902 = arith.constant 0 : i32
      %dma_wait3A_903 = arith.constant 0 : i32
      %dma_wait3A_904 = arith.constant 0 : i32
      %dma_wait3A_905 = tpu.memref_slice %arg6[%dma_wait3A_899, %dma_wait3A_902, %dma_wait3A_903, %dma_wait3A_904] : memref<2x4x200x32xf32, #tpu.memory_space<vmem>> -> memref<1x4x200x32xf32, #tpu.memory_space<vmem>>
      %dma_wait3A_906 = tpu.memref_squeeze %dma_wait3A_905 : memref<1x4x200x32xf32, #tpu.memory_space<vmem>> -> memref<4x200x32xf32, #tpu.memory_space<vmem>>
      %dma_wait3A_907 = arith.constant 0 : i32
      %dma_wait3A_908 = arith.constant 0 : i32
      %dma_wait3A_909 = tpu.memref_slice %dma_wait3A_906[%dma_wait3A_900, %dma_wait3A_907, %dma_wait3A_908] : memref<4x200x32xf32, #tpu.memory_space<vmem>> -> memref<1x200x32xf32, #tpu.memory_space<vmem>>
      %dma_wait3A_910 = tpu.memref_squeeze %dma_wait3A_909 : memref<1x200x32xf32, #tpu.memory_space<vmem>> -> memref<200x32xf32, #tpu.memory_space<vmem>>
      %dma_wait3A_911 = arith.constant 104 : i32
      %dma_wait3A_912 = arith.constant 0 : i32
      %dma_wait3A_913 = tpu.memref_slice %dma_wait3A_910[%dma_wait3A_911, %dma_wait3A_912] : memref<200x32xf32, #tpu.memory_space<vmem>> -> memref<96x32xf32, #tpu.memory_space<vmem>>
      %dma_wait3A_914 = arith.constant 0 : i32
      %dma_wait3A_915 = tpu.memref_slice %arg5[%add3A_898, %dma_wait3A_914] : memref<128x200xi32, #tpu.memory_space<vmem>> -> memref<1x200xi32, #tpu.memory_space<vmem>>
      %dma_wait3A_916 = tpu.memref_squeeze %dma_wait3A_915 : memref<1x200xi32, #tpu.memory_space<vmem>> -> memref<200xi32, #tpu.memory_space<vmem>>
      %dma_wait3A_917 = arith.constant 104 : i32
      %dma_wait3A_918 = tpu.memref_slice %dma_wait3A_916[%dma_wait3A_917] : memref<200xi32, #tpu.memory_space<vmem>> -> memref<96xi32, #tpu.memory_space<vmem>>
      %dma_wait3A_919 = arith.constant 0 : i32
      %dma_wait3A_920 = arith.constant 0 : i32
      %dma_wait3A_921 = tpu.memref_slice %arg3[%dma_wait3A_919, %dma_wait3A_920] : memref<1000000x32xf32, #tpu.memory_space<hbm>> -> memref<1000000x32xf32, #tpu.memory_space<hbm>>
      %dma_wait3A_922 = tpu.memref_slice %arg7[%dma_wait3A_901] : memref<2x!tpu.dma_semaphore, #tpu.memory_space<semaphore_mem>> -> memref<1x!tpu.dma_semaphore, #tpu.memory_space<semaphore_mem>>
      %dma_wait3A_923 = tpu.memref_squeeze %dma_wait3A_922 : memref<1x!tpu.dma_semaphore, #tpu.memory_space<semaphore_mem>> -> memref<!tpu.dma_semaphore, #tpu.memory_space<semaphore_mem>>
      tpu.wait_indirect_dma semaphore(%dma_wait3A_923 : memref<!tpu.dma_semaphore, #tpu.memory_space<semaphore_mem>>) src(%dma_wait3A_921 : memref<1000000x32xf32, #tpu.memory_space<hbm>>) dst(%dma_wait3A_913 : memref<96x32xf32, #tpu.memory_space<vmem>>)
      %mul3A_924 = arith.constant 4 : i32
      %mul3A_925 = arith.muli %add3A_691, %mul3A_924 : i32
      %add3A_926 = arith.addi %mul3A_2, %mul3A_925 : i32
      %dma_start3A_927 = arith.constant 1 : i32
      %dma_start3A_928 = arith.constant 1 : i32
      %dma_start3A_929 = arith.constant 0 : i32
      %dma_start3A_930 = arith.constant 0 : i32
      %dma_start3A_931 = arith.constant 0 : i32
      %dma_start3A_932 = tpu.memref_slice %arg6[%dma_start3A_927, %dma_start3A_929, %dma_start3A_930, %dma_start3A_931] : memref<2x4x200x32xf32, #tpu.memory_space<vmem>> -> memref<1x4x200x32xf32, #tpu.memory_space<vmem>>
      %dma_start3A_933 = tpu.memref_squeeze %dma_start3A_932 : memref<1x4x200x32xf32, #tpu.memory_space<vmem>> -> memref<4x200x32xf32, #tpu.memory_space<vmem>>
      %dma_start3A_934 = arith.constant 0 : i32
      %dma_start3A_935 = arith.constant 0 : i32
      %dma_start3A_936 = tpu.memref_slice %arg4[%add3A_926, %dma_start3A_934, %dma_start3A_935] : memref<4096x200x32xf32, #tpu.memory_space<hbm>> -> memref<4x200x32xf32, #tpu.memory_space<hbm>>
      %dma_start3A_937 = tpu.memref_slice %arg8[%dma_start3A_928] : memref<2x!tpu.dma_semaphore, #tpu.memory_space<semaphore_mem>> -> memref<1x!tpu.dma_semaphore, #tpu.memory_space<semaphore_mem>>
      %dma_start3A_938 = tpu.memref_squeeze %dma_start3A_937 : memref<1x!tpu.dma_semaphore, #tpu.memory_space<semaphore_mem>> -> memref<!tpu.dma_semaphore, #tpu.memory_space<semaphore_mem>>
      %dma_start3A_939 = arith.constant 0 : i32
      %dma_start3A_940 = arith.constant 0 : i32
      %dma_start3A_941 = tpu.memref_slice %arg4[%add3A_926, %dma_start3A_939, %dma_start3A_940] : memref<4096x200x32xf32, #tpu.memory_space<hbm>> -> memref<4x200x32xf32, #tpu.memory_space<hbm>>
      %dma_start3A_942 = arith.constant 0 : i32
      %dma_start3A_943 = arith.constant 0 : i32
      %dma_start3A_944 = arith.constant 0 : i32
      %dma_start3A_945 = tpu.memref_slice %arg6[%dma_start3A_927, %dma_start3A_942, %dma_start3A_943, %dma_start3A_944] : memref<2x4x200x32xf32, #tpu.memory_space<vmem>> -> memref<1x4x200x32xf32, #tpu.memory_space<vmem>>
      %dma_start3A_946 = tpu.memref_squeeze %dma_start3A_945 : memref<1x4x200x32xf32, #tpu.memory_space<vmem>> -> memref<4x200x32xf32, #tpu.memory_space<vmem>>
      tpu.enqueue_dma source(%dma_start3A_946 : memref<4x200x32xf32, #tpu.memory_space<vmem>>) target(%dma_start3A_941 : memref<4x200x32xf32, #tpu.memory_space<hbm>>) target_semaphore(%dma_start3A_938 : memref<!tpu.dma_semaphore, #tpu.memory_space<semaphore_mem>>)
      %add3A_947 = arith.constant 2 : i32
      %add3A_948 = arith.addi %add3A_691, %add3A_947 : i32
      %lt3A_949 = arith.constant 32 : i32
      %lt3A_950 = arith.cmpi slt, %add3A_948, %lt3A_949 : i32
      %convert_element_type3A_951 = arith.extui %lt3A_950 : i1 to i32
      %cond3A_952 = arith.constant 0 : i32
      %cond3A_953 = arith.cmpi ne, %convert_element_type3A_951, %cond3A_952 : i32
      scf.if %cond3A_953 {
        %mul3A_959 = arith.constant 4 : i32
        %mul3A_960 = arith.muli %add3A_691, %mul3A_959 : i32
        %add3A_961 = arith.addi %mul3A_2, %mul3A_960 : i32
        %dma_wait3A_962 = arith.constant 1 : i32
        %dma_wait3A_963 = arith.constant 1 : i32
        %dma_wait3A_964 = arith.constant 0 : i32
        %dma_wait3A_965 = arith.constant 0 : i32
        %dma_wait3A_966 = arith.constant 0 : i32
        %dma_wait3A_967 = tpu.memref_slice %arg6[%dma_wait3A_962, %dma_wait3A_964, %dma_wait3A_965, %dma_wait3A_966] : memref<2x4x200x32xf32, #tpu.memory_space<vmem>> -> memref<1x4x200x32xf32, #tpu.memory_space<vmem>>
        %dma_wait3A_968 = tpu.memref_squeeze %dma_wait3A_967 : memref<1x4x200x32xf32, #tpu.memory_space<vmem>> -> memref<4x200x32xf32, #tpu.memory_space<vmem>>
        %dma_wait3A_969 = arith.constant 0 : i32
        %dma_wait3A_970 = arith.constant 0 : i32
        %dma_wait3A_971 = tpu.memref_slice %arg4[%add3A_961, %dma_wait3A_969, %dma_wait3A_970] : memref<4096x200x32xf32, #tpu.memory_space<hbm>> -> memref<4x200x32xf32, #tpu.memory_space<hbm>>
        %dma_wait3A_972 = tpu.memref_slice %arg8[%dma_wait3A_963] : memref<2x!tpu.dma_semaphore, #tpu.memory_space<semaphore_mem>> -> memref<1x!tpu.dma_semaphore, #tpu.memory_space<semaphore_mem>>
        %dma_wait3A_973 = tpu.memref_squeeze %dma_wait3A_972 : memref<1x!tpu.dma_semaphore, #tpu.memory_space<semaphore_mem>> -> memref<!tpu.dma_semaphore, #tpu.memory_space<semaphore_mem>>
        %dma_wait3A_974 = arith.constant 0 : i32
        %dma_wait3A_975 = arith.constant 0 : i32
        %dma_wait3A_976 = tpu.memref_slice %arg4[%add3A_961, %dma_wait3A_974, %dma_wait3A_975] : memref<4096x200x32xf32, #tpu.memory_space<hbm>> -> memref<4x200x32xf32, #tpu.memory_space<hbm>>
        %dma_wait3A_977 = arith.constant 0 : i32
        %dma_wait3A_978 = arith.constant 0 : i32
        %dma_wait3A_979 = arith.constant 0 : i32
        %dma_wait3A_980 = tpu.memref_slice %arg6[%dma_wait3A_962, %dma_wait3A_977, %dma_wait3A_978, %dma_wait3A_979] : memref<2x4x200x32xf32, #tpu.memory_space<vmem>> -> memref<1x4x200x32xf32, #tpu.memory_space<vmem>>
        %dma_wait3A_981 = tpu.memref_squeeze %dma_wait3A_980 : memref<1x4x200x32xf32, #tpu.memory_space<vmem>> -> memref<4x200x32xf32, #tpu.memory_space<vmem>>
        tpu.wait_dma2 semaphore(%dma_wait3A_973 : memref<!tpu.dma_semaphore, #tpu.memory_space<semaphore_mem>>) src(%dma_wait3A_981 : memref<4x200x32xf32, #tpu.memory_space<vmem>>) dst(%dma_wait3A_976 : memref<4x200x32xf32, #tpu.memory_space<hbm>>)
        %mul3A_982 = arith.constant 4 : i32
        %mul3A_983 = arith.muli %add3A_948, %mul3A_982 : i32
        %add3A_984 = arith.constant 0 : i32
        %add3A_985 = arith.addi %mul3A_983, %add3A_984 : i32
        %dma_start3A_986 = arith.constant 1 : i32
        %dma_start3A_987 = arith.constant 0 : i32
        %dma_start3A_988 = arith.constant 1 : i32
        %dma_start3A_989 = arith.constant 0 : i32
        %dma_start3A_990 = arith.constant 0 : i32
        %dma_start3A_991 = arith.constant 0 : i32
        %dma_start3A_992 = tpu.memref_slice %arg6[%dma_start3A_986, %dma_start3A_989, %dma_start3A_990, %dma_start3A_991] : memref<2x4x200x32xf32, #tpu.memory_space<vmem>> -> memref<1x4x200x32xf32, #tpu.memory_space<vmem>>
        %dma_start3A_993 = tpu.memref_squeeze %dma_start3A_992 : memref<1x4x200x32xf32, #tpu.memory_space<vmem>> -> memref<4x200x32xf32, #tpu.memory_space<vmem>>
        %dma_start3A_994 = arith.constant 0 : i32
        %dma_start3A_995 = arith.constant 0 : i32
        %dma_start3A_996 = tpu.memref_slice %dma_start3A_993[%dma_start3A_987, %dma_start3A_994, %dma_start3A_995] : memref<4x200x32xf32, #tpu.memory_space<vmem>> -> memref<1x200x32xf32, #tpu.memory_space<vmem>>
        %dma_start3A_997 = tpu.memref_squeeze %dma_start3A_996 : memref<1x200x32xf32, #tpu.memory_space<vmem>> -> memref<200x32xf32, #tpu.memory_space<vmem>>
        %dma_start3A_998 = arith.constant 0 : i32
        %dma_start3A_999 = arith.constant 0 : i32
        %dma_start3A_1000 = tpu.memref_slice %dma_start3A_997[%dma_start3A_998, %dma_start3A_999] : memref<200x32xf32, #tpu.memory_space<vmem>> -> memref<104x32xf32, #tpu.memory_space<vmem>>
        %dma_start3A_1001 = arith.constant 0 : i32
        %dma_start3A_1002 = tpu.memref_slice %arg5[%add3A_985, %dma_start3A_1001] : memref<128x200xi32, #tpu.memory_space<vmem>> -> memref<1x200xi32, #tpu.memory_space<vmem>>
        %dma_start3A_1003 = tpu.memref_squeeze %dma_start3A_1002 : memref<1x200xi32, #tpu.memory_space<vmem>> -> memref<200xi32, #tpu.memory_space<vmem>>
        %dma_start3A_1004 = arith.constant 0 : i32
        %dma_start3A_1005 = tpu.memref_slice %dma_start3A_1003[%dma_start3A_1004] : memref<200xi32, #tpu.memory_space<vmem>> -> memref<104xi32, #tpu.memory_space<vmem>>
        %dma_start3A_1006 = arith.constant 0 : i32
        %dma_start3A_1007 = arith.constant 0 : i32
        %dma_start3A_1008 = tpu.memref_slice %arg3[%dma_start3A_1006, %dma_start3A_1007] : memref<1000000x32xf32, #tpu.memory_space<hbm>> -> memref<1000000x32xf32, #tpu.memory_space<hbm>>
        %dma_start3A_1009 = tpu.memref_slice %arg7[%dma_start3A_988] : memref<2x!tpu.dma_semaphore, #tpu.memory_space<semaphore_mem>> -> memref<1x!tpu.dma_semaphore, #tpu.memory_space<semaphore_mem>>
        %dma_start3A_1010 = tpu.memref_squeeze %dma_start3A_1009 : memref<1x!tpu.dma_semaphore, #tpu.memory_space<semaphore_mem>> -> memref<!tpu.dma_semaphore, #tpu.memory_space<semaphore_mem>>
        tpu.enqueue_indirect_dma source(%dma_start3A_1008 : memref<1000000x32xf32, #tpu.memory_space<hbm>>) target(%dma_start3A_1000 : memref<104x32xf32, #tpu.memory_space<vmem>>) offsets(%dma_start3A_1005 : memref<104xi32, #tpu.memory_space<vmem>>) semaphore(%dma_start3A_1010 : memref<!tpu.dma_semaphore, #tpu.memory_space<semaphore_mem>>)
        %mul3A_1011 = arith.constant 4 : i32
        %mul3A_1012 = arith.muli %add3A_948, %mul3A_1011 : i32
        %add3A_1013 = arith.constant 0 : i32
        %add3A_1014 = arith.addi %mul3A_1012, %add3A_1013 : i32
        %dma_start3A_1015 = arith.constant 1 : i32
        %dma_start3A_1016 = arith.constant 0 : i32
        %dma_start3A_1017 = arith.constant 1 : i32
        %dma_start3A_1018 = arith.constant 0 : i32
        %dma_start3A_1019 = arith.constant 0 : i32
        %dma_start3A_1020 = arith.constant 0 : i32
        %dma_start3A_1021 = tpu.memref_slice %arg6[%dma_start3A_1015, %dma_start3A_1018, %dma_start3A_1019, %dma_start3A_1020] : memref<2x4x200x32xf32, #tpu.memory_space<vmem>> -> memref<1x4x200x32xf32, #tpu.memory_space<vmem>>
        %dma_start3A_1022 = tpu.memref_squeeze %dma_start3A_1021 : memref<1x4x200x32xf32, #tpu.memory_space<vmem>> -> memref<4x200x32xf32, #tpu.memory_space<vmem>>
        %dma_start3A_1023 = arith.constant 0 : i32
        %dma_start3A_1024 = arith.constant 0 : i32
        %dma_start3A_1025 = tpu.memref_slice %dma_start3A_1022[%dma_start3A_1016, %dma_start3A_1023, %dma_start3A_1024] : memref<4x200x32xf32, #tpu.memory_space<vmem>> -> memref<1x200x32xf32, #tpu.memory_space<vmem>>
        %dma_start3A_1026 = tpu.memref_squeeze %dma_start3A_1025 : memref<1x200x32xf32, #tpu.memory_space<vmem>> -> memref<200x32xf32, #tpu.memory_space<vmem>>
        %dma_start3A_1027 = arith.constant 104 : i32
        %dma_start3A_1028 = arith.constant 0 : i32
        %dma_start3A_1029 = tpu.memref_slice %dma_start3A_1026[%dma_start3A_1027, %dma_start3A_1028] : memref<200x32xf32, #tpu.memory_space<vmem>> -> memref<96x32xf32, #tpu.memory_space<vmem>>
        %dma_start3A_1030 = arith.constant 0 : i32
        %dma_start3A_1031 = tpu.memref_slice %arg5[%add3A_1014, %dma_start3A_1030] : memref<128x200xi32, #tpu.memory_space<vmem>> -> memref<1x200xi32, #tpu.memory_space<vmem>>
        %dma_start3A_1032 = tpu.memref_squeeze %dma_start3A_1031 : memref<1x200xi32, #tpu.memory_space<vmem>> -> memref<200xi32, #tpu.memory_space<vmem>>
        %dma_start3A_1033 = arith.constant 104 : i32
        %dma_start3A_1034 = tpu.memref_slice %dma_start3A_1032[%dma_start3A_1033] : memref<200xi32, #tpu.memory_space<vmem>> -> memref<96xi32, #tpu.memory_space<vmem>>
        %dma_start3A_1035 = arith.constant 0 : i32
        %dma_start3A_1036 = arith.constant 0 : i32
        %dma_start3A_1037 = tpu.memref_slice %arg3[%dma_start3A_1035, %dma_start3A_1036] : memref<1000000x32xf32, #tpu.memory_space<hbm>> -> memref<1000000x32xf32, #tpu.memory_space<hbm>>
        %dma_start3A_1038 = tpu.memref_slice %arg7[%dma_start3A_1017] : memref<2x!tpu.dma_semaphore, #tpu.memory_space<semaphore_mem>> -> memref<1x!tpu.dma_semaphore, #tpu.memory_space<semaphore_mem>>
        %dma_start3A_1039 = tpu.memref_squeeze %dma_start3A_1038 : memref<1x!tpu.dma_semaphore, #tpu.memory_space<semaphore_mem>> -> memref<!tpu.dma_semaphore, #tpu.memory_space<semaphore_mem>>
        tpu.enqueue_indirect_dma source(%dma_start3A_1037 : memref<1000000x32xf32, #tpu.memory_space<hbm>>) target(%dma_start3A_1029 : memref<96x32xf32, #tpu.memory_space<vmem>>) offsets(%dma_start3A_1034 : memref<96xi32, #tpu.memory_space<vmem>>) semaphore(%dma_start3A_1039 : memref<!tpu.dma_semaphore, #tpu.memory_space<semaphore_mem>>)
        %mul3A_1040 = arith.constant 4 : i32
        %mul3A_1041 = arith.muli %add3A_948, %mul3A_1040 : i32
        %add3A_1042 = arith.constant 1 : i32
        %add3A_1043 = arith.addi %mul3A_1041, %add3A_1042 : i32
        %dma_start3A_1044 = arith.constant 1 : i32
        %dma_start3A_1045 = arith.constant 1 : i32
        %dma_start3A_1046 = arith.constant 1 : i32
        %dma_start3A_1047 = arith.constant 0 : i32
        %dma_start3A_1048 = arith.constant 0 : i32
        %dma_start3A_1049 = arith.constant 0 : i32
        %dma_start3A_1050 = tpu.memref_slice %arg6[%dma_start3A_1044, %dma_start3A_1047, %dma_start3A_1048, %dma_start3A_1049] : memref<2x4x200x32xf32, #tpu.memory_space<vmem>> -> memref<1x4x200x32xf32, #tpu.memory_space<vmem>>
        %dma_start3A_1051 = tpu.memref_squeeze %dma_start3A_1050 : memref<1x4x200x32xf32, #tpu.memory_space<vmem>> -> memref<4x200x32xf32, #tpu.memory_space<vmem>>
        %dma_start3A_1052 = arith.constant 0 : i32
        %dma_start3A_1053 = arith.constant 0 : i32
        %dma_start3A_1054 = tpu.memref_slice %dma_start3A_1051[%dma_start3A_1045, %dma_start3A_1052, %dma_start3A_1053] : memref<4x200x32xf32, #tpu.memory_space<vmem>> -> memref<1x200x32xf32, #tpu.memory_space<vmem>>
        %dma_start3A_1055 = tpu.memref_squeeze %dma_start3A_1054 : memref<1x200x32xf32, #tpu.memory_space<vmem>> -> memref<200x32xf32, #tpu.memory_space<vmem>>
        %dma_start3A_1056 = arith.constant 0 : i32
        %dma_start3A_1057 = arith.constant 0 : i32
        %dma_start3A_1058 = tpu.memref_slice %dma_start3A_1055[%dma_start3A_1056, %dma_start3A_1057] : memref<200x32xf32, #tpu.memory_space<vmem>> -> memref<104x32xf32, #tpu.memory_space<vmem>>
        %dma_start3A_1059 = arith.constant 0 : i32
        %dma_start3A_1060 = tpu.memref_slice %arg5[%add3A_1043, %dma_start3A_1059] : memref<128x200xi32, #tpu.memory_space<vmem>> -> memref<1x200xi32, #tpu.memory_space<vmem>>
        %dma_start3A_1061 = tpu.memref_squeeze %dma_start3A_1060 : memref<1x200xi32, #tpu.memory_space<vmem>> -> memref<200xi32, #tpu.memory_space<vmem>>
        %dma_start3A_1062 = arith.constant 0 : i32
        %dma_start3A_1063 = tpu.memref_slice %dma_start3A_1061[%dma_start3A_1062] : memref<200xi32, #tpu.memory_space<vmem>> -> memref<104xi32, #tpu.memory_space<vmem>>
        %dma_start3A_1064 = arith.constant 0 : i32
        %dma_start3A_1065 = arith.constant 0 : i32
        %dma_start3A_1066 = tpu.memref_slice %arg3[%dma_start3A_1064, %dma_start3A_1065] : memref<1000000x32xf32, #tpu.memory_space<hbm>> -> memref<1000000x32xf32, #tpu.memory_space<hbm>>
        %dma_start3A_1067 = tpu.memref_slice %arg7[%dma_start3A_1046] : memref<2x!tpu.dma_semaphore, #tpu.memory_space<semaphore_mem>> -> memref<1x!tpu.dma_semaphore, #tpu.memory_space<semaphore_mem>>
        %dma_start3A_1068 = tpu.memref_squeeze %dma_start3A_1067 : memref<1x!tpu.dma_semaphore, #tpu.memory_space<semaphore_mem>> -> memref<!tpu.dma_semaphore, #tpu.memory_space<semaphore_mem>>
        tpu.enqueue_indirect_dma source(%dma_start3A_1066 : memref<1000000x32xf32, #tpu.memory_space<hbm>>) target(%dma_start3A_1058 : memref<104x32xf32, #tpu.memory_space<vmem>>) offsets(%dma_start3A_1063 : memref<104xi32, #tpu.memory_space<vmem>>) semaphore(%dma_start3A_1068 : memref<!tpu.dma_semaphore, #tpu.memory_space<semaphore_mem>>)
        %mul3A_1069 = arith.constant 4 : i32
        %mul3A_1070 = arith.muli %add3A_948, %mul3A_1069 : i32
        %add3A_1071 = arith.constant 1 : i32
        %add3A_1072 = arith.addi %mul3A_1070, %add3A_1071 : i32
        %dma_start3A_1073 = arith.constant 1 : i32
        %dma_start3A_1074 = arith.constant 1 : i32
        %dma_start3A_1075 = arith.constant 1 : i32
        %dma_start3A_1076 = arith.constant 0 : i32
        %dma_start3A_1077 = arith.constant 0 : i32
        %dma_start3A_1078 = arith.constant 0 : i32
        %dma_start3A_1079 = tpu.memref_slice %arg6[%dma_start3A_1073, %dma_start3A_1076, %dma_start3A_1077, %dma_start3A_1078] : memref<2x4x200x32xf32, #tpu.memory_space<vmem>> -> memref<1x4x200x32xf32, #tpu.memory_space<vmem>>
        %dma_start3A_1080 = tpu.memref_squeeze %dma_start3A_1079 : memref<1x4x200x32xf32, #tpu.memory_space<vmem>> -> memref<4x200x32xf32, #tpu.memory_space<vmem>>
        %dma_start3A_1081 = arith.constant 0 : i32
        %dma_start3A_1082 = arith.constant 0 : i32
        %dma_start3A_1083 = tpu.memref_slice %dma_start3A_1080[%dma_start3A_1074, %dma_start3A_1081, %dma_start3A_1082] : memref<4x200x32xf32, #tpu.memory_space<vmem>> -> memref<1x200x32xf32, #tpu.memory_space<vmem>>
        %dma_start3A_1084 = tpu.memref_squeeze %dma_start3A_1083 : memref<1x200x32xf32, #tpu.memory_space<vmem>> -> memref<200x32xf32, #tpu.memory_space<vmem>>
        %dma_start3A_1085 = arith.constant 104 : i32
        %dma_start3A_1086 = arith.constant 0 : i32
        %dma_start3A_1087 = tpu.memref_slice %dma_start3A_1084[%dma_start3A_1085, %dma_start3A_1086] : memref<200x32xf32, #tpu.memory_space<vmem>> -> memref<96x32xf32, #tpu.memory_space<vmem>>
        %dma_start3A_1088 = arith.constant 0 : i32
        %dma_start3A_1089 = tpu.memref_slice %arg5[%add3A_1072, %dma_start3A_1088] : memref<128x200xi32, #tpu.memory_space<vmem>> -> memref<1x200xi32, #tpu.memory_space<vmem>>
        %dma_start3A_1090 = tpu.memref_squeeze %dma_start3A_1089 : memref<1x200xi32, #tpu.memory_space<vmem>> -> memref<200xi32, #tpu.memory_space<vmem>>
        %dma_start3A_1091 = arith.constant 104 : i32
        %dma_start3A_1092 = tpu.memref_slice %dma_start3A_1090[%dma_start3A_1091] : memref<200xi32, #tpu.memory_space<vmem>> -> memref<96xi32, #tpu.memory_space<vmem>>
        %dma_start3A_1093 = arith.constant 0 : i32
        %dma_start3A_1094 = arith.constant 0 : i32
        %dma_start3A_1095 = tpu.memref_slice %arg3[%dma_start3A_1093, %dma_start3A_1094] : memref<1000000x32xf32, #tpu.memory_space<hbm>> -> memref<1000000x32xf32, #tpu.memory_space<hbm>>
        %dma_start3A_1096 = tpu.memref_slice %arg7[%dma_start3A_1075] : memref<2x!tpu.dma_semaphore, #tpu.memory_space<semaphore_mem>> -> memref<1x!tpu.dma_semaphore, #tpu.memory_space<semaphore_mem>>
        %dma_start3A_1097 = tpu.memref_squeeze %dma_start3A_1096 : memref<1x!tpu.dma_semaphore, #tpu.memory_space<semaphore_mem>> -> memref<!tpu.dma_semaphore, #tpu.memory_space<semaphore_mem>>
        tpu.enqueue_indirect_dma source(%dma_start3A_1095 : memref<1000000x32xf32, #tpu.memory_space<hbm>>) target(%dma_start3A_1087 : memref<96x32xf32, #tpu.memory_space<vmem>>) offsets(%dma_start3A_1092 : memref<96xi32, #tpu.memory_space<vmem>>) semaphore(%dma_start3A_1097 : memref<!tpu.dma_semaphore, #tpu.memory_space<semaphore_mem>>)
        %mul3A_1098 = arith.constant 4 : i32
        %mul3A_1099 = arith.muli %add3A_948, %mul3A_1098 : i32
        %add3A_1100 = arith.constant 2 : i32
        %add3A_1101 = arith.addi %mul3A_1099, %add3A_1100 : i32
        %dma_start3A_1102 = arith.constant 1 : i32
        %dma_start3A_1103 = arith.constant 2 : i32
        %dma_start3A_1104 = arith.constant 1 : i32
        %dma_start3A_1105 = arith.constant 0 : i32
        %dma_start3A_1106 = arith.constant 0 : i32
        %dma_start3A_1107 = arith.constant 0 : i32
        %dma_start3A_1108 = tpu.memref_slice %arg6[%dma_start3A_1102, %dma_start3A_1105, %dma_start3A_1106, %dma_start3A_1107] : memref<2x4x200x32xf32, #tpu.memory_space<vmem>> -> memref<1x4x200x32xf32, #tpu.memory_space<vmem>>
        %dma_start3A_1109 = tpu.memref_squeeze %dma_start3A_1108 : memref<1x4x200x32xf32, #tpu.memory_space<vmem>> -> memref<4x200x32xf32, #tpu.memory_space<vmem>>
        %dma_start3A_1110 = arith.constant 0 : i32
        %dma_start3A_1111 = arith.constant 0 : i32
        %dma_start3A_1112 = tpu.memref_slice %dma_start3A_1109[%dma_start3A_1103, %dma_start3A_1110, %dma_start3A_1111] : memref<4x200x32xf32, #tpu.memory_space<vmem>> -> memref<1x200x32xf32, #tpu.memory_space<vmem>>
        %dma_start3A_1113 = tpu.memref_squeeze %dma_start3A_1112 : memref<1x200x32xf32, #tpu.memory_space<vmem>> -> memref<200x32xf32, #tpu.memory_space<vmem>>
        %dma_start3A_1114 = arith.constant 0 : i32
        %dma_start3A_1115 = arith.constant 0 : i32
        %dma_start3A_1116 = tpu.memref_slice %dma_start3A_1113[%dma_start3A_1114, %dma_start3A_1115] : memref<200x32xf32, #tpu.memory_space<vmem>> -> memref<104x32xf32, #tpu.memory_space<vmem>>
        %dma_start3A_1117 = arith.constant 0 : i32
        %dma_start3A_1118 = tpu.memref_slice %arg5[%add3A_1101, %dma_start3A_1117] : memref<128x200xi32, #tpu.memory_space<vmem>> -> memref<1x200xi32, #tpu.memory_space<vmem>>
        %dma_start3A_1119 = tpu.memref_squeeze %dma_start3A_1118 : memref<1x200xi32, #tpu.memory_space<vmem>> -> memref<200xi32, #tpu.memory_space<vmem>>
        %dma_start3A_1120 = arith.constant 0 : i32
        %dma_start3A_1121 = tpu.memref_slice %dma_start3A_1119[%dma_start3A_1120] : memref<200xi32, #tpu.memory_space<vmem>> -> memref<104xi32, #tpu.memory_space<vmem>>
        %dma_start3A_1122 = arith.constant 0 : i32
        %dma_start3A_1123 = arith.constant 0 : i32
        %dma_start3A_1124 = tpu.memref_slice %arg3[%dma_start3A_1122, %dma_start3A_1123] : memref<1000000x32xf32, #tpu.memory_space<hbm>> -> memref<1000000x32xf32, #tpu.memory_space<hbm>>
        %dma_start3A_1125 = tpu.memref_slice %arg7[%dma_start3A_1104] : memref<2x!tpu.dma_semaphore, #tpu.memory_space<semaphore_mem>> -> memref<1x!tpu.dma_semaphore, #tpu.memory_space<semaphore_mem>>
        %dma_start3A_1126 = tpu.memref_squeeze %dma_start3A_1125 : memref<1x!tpu.dma_semaphore, #tpu.memory_space<semaphore_mem>> -> memref<!tpu.dma_semaphore, #tpu.memory_space<semaphore_mem>>
        tpu.enqueue_indirect_dma source(%dma_start3A_1124 : memref<1000000x32xf32, #tpu.memory_space<hbm>>) target(%dma_start3A_1116 : memref<104x32xf32, #tpu.memory_space<vmem>>) offsets(%dma_start3A_1121 : memref<104xi32, #tpu.memory_space<vmem>>) semaphore(%dma_start3A_1126 : memref<!tpu.dma_semaphore, #tpu.memory_space<semaphore_mem>>)
        %mul3A_1127 = arith.constant 4 : i32
        %mul3A_1128 = arith.muli %add3A_948, %mul3A_1127 : i32
        %add3A_1129 = arith.constant 2 : i32
        %add3A_1130 = arith.addi %mul3A_1128, %add3A_1129 : i32
        %dma_start3A_1131 = arith.constant 1 : i32
        %dma_start3A_1132 = arith.constant 2 : i32
        %dma_start3A_1133 = arith.constant 1 : i32
        %dma_start3A_1134 = arith.constant 0 : i32
        %dma_start3A_1135 = arith.constant 0 : i32
        %dma_start3A_1136 = arith.constant 0 : i32
        %dma_start3A_1137 = tpu.memref_slice %arg6[%dma_start3A_1131, %dma_start3A_1134, %dma_start3A_1135, %dma_start3A_1136] : memref<2x4x200x32xf32, #tpu.memory_space<vmem>> -> memref<1x4x200x32xf32, #tpu.memory_space<vmem>>
        %dma_start3A_1138 = tpu.memref_squeeze %dma_start3A_1137 : memref<1x4x200x32xf32, #tpu.memory_space<vmem>> -> memref<4x200x32xf32, #tpu.memory_space<vmem>>
        %dma_start3A_1139 = arith.constant 0 : i32
        %dma_start3A_1140 = arith.constant 0 : i32
        %dma_start3A_1141 = tpu.memref_slice %dma_start3A_1138[%dma_start3A_1132, %dma_start3A_1139, %dma_start3A_1140] : memref<4x200x32xf32, #tpu.memory_space<vmem>> -> memref<1x200x32xf32, #tpu.memory_space<vmem>>
        %dma_start3A_1142 = tpu.memref_squeeze %dma_start3A_1141 : memref<1x200x32xf32, #tpu.memory_space<vmem>> -> memref<200x32xf32, #tpu.memory_space<vmem>>
        %dma_start3A_1143 = arith.constant 104 : i32
        %dma_start3A_1144 = arith.constant 0 : i32
        %dma_start3A_1145 = tpu.memref_slice %dma_start3A_1142[%dma_start3A_1143, %dma_start3A_1144] : memref<200x32xf32, #tpu.memory_space<vmem>> -> memref<96x32xf32, #tpu.memory_space<vmem>>
        %dma_start3A_1146 = arith.constant 0 : i32
        %dma_start3A_1147 = tpu.memref_slice %arg5[%add3A_1130, %dma_start3A_1146] : memref<128x200xi32, #tpu.memory_space<vmem>> -> memref<1x200xi32, #tpu.memory_space<vmem>>
        %dma_start3A_1148 = tpu.memref_squeeze %dma_start3A_1147 : memref<1x200xi32, #tpu.memory_space<vmem>> -> memref<200xi32, #tpu.memory_space<vmem>>
        %dma_start3A_1149 = arith.constant 104 : i32
        %dma_start3A_1150 = tpu.memref_slice %dma_start3A_1148[%dma_start3A_1149] : memref<200xi32, #tpu.memory_space<vmem>> -> memref<96xi32, #tpu.memory_space<vmem>>
        %dma_start3A_1151 = arith.constant 0 : i32
        %dma_start3A_1152 = arith.constant 0 : i32
        %dma_start3A_1153 = tpu.memref_slice %arg3[%dma_start3A_1151, %dma_start3A_1152] : memref<1000000x32xf32, #tpu.memory_space<hbm>> -> memref<1000000x32xf32, #tpu.memory_space<hbm>>
        %dma_start3A_1154 = tpu.memref_slice %arg7[%dma_start3A_1133] : memref<2x!tpu.dma_semaphore, #tpu.memory_space<semaphore_mem>> -> memref<1x!tpu.dma_semaphore, #tpu.memory_space<semaphore_mem>>
        %dma_start3A_1155 = tpu.memref_squeeze %dma_start3A_1154 : memref<1x!tpu.dma_semaphore, #tpu.memory_space<semaphore_mem>> -> memref<!tpu.dma_semaphore, #tpu.memory_space<semaphore_mem>>
        tpu.enqueue_indirect_dma source(%dma_start3A_1153 : memref<1000000x32xf32, #tpu.memory_space<hbm>>) target(%dma_start3A_1145 : memref<96x32xf32, #tpu.memory_space<vmem>>) offsets(%dma_start3A_1150 : memref<96xi32, #tpu.memory_space<vmem>>) semaphore(%dma_start3A_1155 : memref<!tpu.dma_semaphore, #tpu.memory_space<semaphore_mem>>)
        %mul3A_1156 = arith.constant 4 : i32
        %mul3A_1157 = arith.muli %add3A_948, %mul3A_1156 : i32
        %add3A_1158 = arith.constant 3 : i32
        %add3A_1159 = arith.addi %mul3A_1157, %add3A_1158 : i32
        %dma_start3A_1160 = arith.constant 1 : i32
        %dma_start3A_1161 = arith.constant 3 : i32
        %dma_start3A_1162 = arith.constant 1 : i32
        %dma_start3A_1163 = arith.constant 0 : i32
        %dma_start3A_1164 = arith.constant 0 : i32
        %dma_start3A_1165 = arith.constant 0 : i32
        %dma_start3A_1166 = tpu.memref_slice %arg6[%dma_start3A_1160, %dma_start3A_1163, %dma_start3A_1164, %dma_start3A_1165] : memref<2x4x200x32xf32, #tpu.memory_space<vmem>> -> memref<1x4x200x32xf32, #tpu.memory_space<vmem>>
        %dma_start3A_1167 = tpu.memref_squeeze %dma_start3A_1166 : memref<1x4x200x32xf32, #tpu.memory_space<vmem>> -> memref<4x200x32xf32, #tpu.memory_space<vmem>>
        %dma_start3A_1168 = arith.constant 0 : i32
        %dma_start3A_1169 = arith.constant 0 : i32
        %dma_start3A_1170 = tpu.memref_slice %dma_start3A_1167[%dma_start3A_1161, %dma_start3A_1168, %dma_start3A_1169] : memref<4x200x32xf32, #tpu.memory_space<vmem>> -> memref<1x200x32xf32, #tpu.memory_space<vmem>>
        %dma_start3A_1171 = tpu.memref_squeeze %dma_start3A_1170 : memref<1x200x32xf32, #tpu.memory_space<vmem>> -> memref<200x32xf32, #tpu.memory_space<vmem>>
        %dma_start3A_1172 = arith.constant 0 : i32
        %dma_start3A_1173 = arith.constant 0 : i32
        %dma_start3A_1174 = tpu.memref_slice %dma_start3A_1171[%dma_start3A_1172, %dma_start3A_1173] : memref<200x32xf32, #tpu.memory_space<vmem>> -> memref<104x32xf32, #tpu.memory_space<vmem>>
        %dma_start3A_1175 = arith.constant 0 : i32
        %dma_start3A_1176 = tpu.memref_slice %arg5[%add3A_1159, %dma_start3A_1175] : memref<128x200xi32, #tpu.memory_space<vmem>> -> memref<1x200xi32, #tpu.memory_space<vmem>>
        %dma_start3A_1177 = tpu.memref_squeeze %dma_start3A_1176 : memref<1x200xi32, #tpu.memory_space<vmem>> -> memref<200xi32, #tpu.memory_space<vmem>>
        %dma_start3A_1178 = arith.constant 0 : i32
        %dma_start3A_1179 = tpu.memref_slice %dma_start3A_1177[%dma_start3A_1178] : memref<200xi32, #tpu.memory_space<vmem>> -> memref<104xi32, #tpu.memory_space<vmem>>
        %dma_start3A_1180 = arith.constant 0 : i32
        %dma_start3A_1181 = arith.constant 0 : i32
        %dma_start3A_1182 = tpu.memref_slice %arg3[%dma_start3A_1180, %dma_start3A_1181] : memref<1000000x32xf32, #tpu.memory_space<hbm>> -> memref<1000000x32xf32, #tpu.memory_space<hbm>>
        %dma_start3A_1183 = tpu.memref_slice %arg7[%dma_start3A_1162] : memref<2x!tpu.dma_semaphore, #tpu.memory_space<semaphore_mem>> -> memref<1x!tpu.dma_semaphore, #tpu.memory_space<semaphore_mem>>
        %dma_start3A_1184 = tpu.memref_squeeze %dma_start3A_1183 : memref<1x!tpu.dma_semaphore, #tpu.memory_space<semaphore_mem>> -> memref<!tpu.dma_semaphore, #tpu.memory_space<semaphore_mem>>
        tpu.enqueue_indirect_dma source(%dma_start3A_1182 : memref<1000000x32xf32, #tpu.memory_space<hbm>>) target(%dma_start3A_1174 : memref<104x32xf32, #tpu.memory_space<vmem>>) offsets(%dma_start3A_1179 : memref<104xi32, #tpu.memory_space<vmem>>) semaphore(%dma_start3A_1184 : memref<!tpu.dma_semaphore, #tpu.memory_space<semaphore_mem>>)
        %mul3A_1185 = arith.constant 4 : i32
        %mul3A_1186 = arith.muli %add3A_948, %mul3A_1185 : i32
        %add3A_1187 = arith.constant 3 : i32
        %add3A_1188 = arith.addi %mul3A_1186, %add3A_1187 : i32
        %dma_start3A_1189 = arith.constant 1 : i32
        %dma_start3A_1190 = arith.constant 3 : i32
        %dma_start3A_1191 = arith.constant 1 : i32
        %dma_start3A_1192 = arith.constant 0 : i32
        %dma_start3A_1193 = arith.constant 0 : i32
        %dma_start3A_1194 = arith.constant 0 : i32
        %dma_start3A_1195 = tpu.memref_slice %arg6[%dma_start3A_1189, %dma_start3A_1192, %dma_start3A_1193, %dma_start3A_1194] : memref<2x4x200x32xf32, #tpu.memory_space<vmem>> -> memref<1x4x200x32xf32, #tpu.memory_space<vmem>>
        %dma_start3A_1196 = tpu.memref_squeeze %dma_start3A_1195 : memref<1x4x200x32xf32, #tpu.memory_space<vmem>> -> memref<4x200x32xf32, #tpu.memory_space<vmem>>
        %dma_start3A_1197 = arith.constant 0 : i32
        %dma_start3A_1198 = arith.constant 0 : i32
        %dma_start3A_1199 = tpu.memref_slice %dma_start3A_1196[%dma_start3A_1190, %dma_start3A_1197, %dma_start3A_1198] : memref<4x200x32xf32, #tpu.memory_space<vmem>> -> memref<1x200x32xf32, #tpu.memory_space<vmem>>
        %dma_start3A_1200 = tpu.memref_squeeze %dma_start3A_1199 : memref<1x200x32xf32, #tpu.memory_space<vmem>> -> memref<200x32xf32, #tpu.memory_space<vmem>>
        %dma_start3A_1201 = arith.constant 104 : i32
        %dma_start3A_1202 = arith.constant 0 : i32
        %dma_start3A_1203 = tpu.memref_slice %dma_start3A_1200[%dma_start3A_1201, %dma_start3A_1202] : memref<200x32xf32, #tpu.memory_space<vmem>> -> memref<96x32xf32, #tpu.memory_space<vmem>>
        %dma_start3A_1204 = arith.constant 0 : i32
        %dma_start3A_1205 = tpu.memref_slice %arg5[%add3A_1188, %dma_start3A_1204] : memref<128x200xi32, #tpu.memory_space<vmem>> -> memref<1x200xi32, #tpu.memory_space<vmem>>
        %dma_start3A_1206 = tpu.memref_squeeze %dma_start3A_1205 : memref<1x200xi32, #tpu.memory_space<vmem>> -> memref<200xi32, #tpu.memory_space<vmem>>
        %dma_start3A_1207 = arith.constant 104 : i32
        %dma_start3A_1208 = tpu.memref_slice %dma_start3A_1206[%dma_start3A_1207] : memref<200xi32, #tpu.memory_space<vmem>> -> memref<96xi32, #tpu.memory_space<vmem>>
        %dma_start3A_1209 = arith.constant 0 : i32
        %dma_start3A_1210 = arith.constant 0 : i32
        %dma_start3A_1211 = tpu.memref_slice %arg3[%dma_start3A_1209, %dma_start3A_1210] : memref<1000000x32xf32, #tpu.memory_space<hbm>> -> memref<1000000x32xf32, #tpu.memory_space<hbm>>
        %dma_start3A_1212 = tpu.memref_slice %arg7[%dma_start3A_1191] : memref<2x!tpu.dma_semaphore, #tpu.memory_space<semaphore_mem>> -> memref<1x!tpu.dma_semaphore, #tpu.memory_space<semaphore_mem>>
        %dma_start3A_1213 = tpu.memref_squeeze %dma_start3A_1212 : memref<1x!tpu.dma_semaphore, #tpu.memory_space<semaphore_mem>> -> memref<!tpu.dma_semaphore, #tpu.memory_space<semaphore_mem>>
        tpu.enqueue_indirect_dma source(%dma_start3A_1211 : memref<1000000x32xf32, #tpu.memory_space<hbm>>) target(%dma_start3A_1203 : memref<96x32xf32, #tpu.memory_space<vmem>>) offsets(%dma_start3A_1208 : memref<96xi32, #tpu.memory_space<vmem>>) semaphore(%dma_start3A_1213 : memref<!tpu.dma_semaphore, #tpu.memory_space<semaphore_mem>>)
      } else {
      }
      %ge3A_954 = arith.constant 32 : i32
      %ge3A_955 = arith.cmpi sge, %add3A_948, %ge3A_954 : i32
      %convert_element_type3A_956 = arith.extui %ge3A_955 : i1 to i32
      %cond3A_957 = arith.constant 0 : i32
      %cond3A_958 = arith.cmpi ne, %convert_element_type3A_956, %cond3A_957 : i32
      scf.if %cond3A_958 {
        %mul3A_959 = arith.constant 4 : i32
        %mul3A_960 = arith.muli %add3A_691, %mul3A_959 : i32
        %add3A_961 = arith.addi %mul3A_2, %mul3A_960 : i32
        %dma_wait3A_962 = arith.constant 1 : i32
        %dma_wait3A_963 = arith.constant 1 : i32
        %dma_wait3A_964 = arith.constant 0 : i32
        %dma_wait3A_965 = arith.constant 0 : i32
        %dma_wait3A_966 = arith.constant 0 : i32
        %dma_wait3A_967 = tpu.memref_slice %arg6[%dma_wait3A_962, %dma_wait3A_964, %dma_wait3A_965, %dma_wait3A_966] : memref<2x4x200x32xf32, #tpu.memory_space<vmem>> -> memref<1x4x200x32xf32, #tpu.memory_space<vmem>>
        %dma_wait3A_968 = tpu.memref_squeeze %dma_wait3A_967 : memref<1x4x200x32xf32, #tpu.memory_space<vmem>> -> memref<4x200x32xf32, #tpu.memory_space<vmem>>
        %dma_wait3A_969 = arith.constant 0 : i32
        %dma_wait3A_970 = arith.constant 0 : i32
        %dma_wait3A_971 = tpu.memref_slice %arg4[%add3A_961, %dma_wait3A_969, %dma_wait3A_970] : memref<4096x200x32xf32, #tpu.memory_space<hbm>> -> memref<4x200x32xf32, #tpu.memory_space<hbm>>
        %dma_wait3A_972 = tpu.memref_slice %arg8[%dma_wait3A_963] : memref<2x!tpu.dma_semaphore, #tpu.memory_space<semaphore_mem>> -> memref<1x!tpu.dma_semaphore, #tpu.memory_space<semaphore_mem>>
        %dma_wait3A_973 = tpu.memref_squeeze %dma_wait3A_972 : memref<1x!tpu.dma_semaphore, #tpu.memory_space<semaphore_mem>> -> memref<!tpu.dma_semaphore, #tpu.memory_space<semaphore_mem>>
        %dma_wait3A_974 = arith.constant 0 : i32
        %dma_wait3A_975 = arith.constant 0 : i32
        %dma_wait3A_976 = tpu.memref_slice %arg4[%add3A_961, %dma_wait3A_974, %dma_wait3A_975] : memref<4096x200x32xf32, #tpu.memory_space<hbm>> -> memref<4x200x32xf32, #tpu.memory_space<hbm>>
        %dma_wait3A_977 = arith.constant 0 : i32
        %dma_wait3A_978 = arith.constant 0 : i32
        %dma_wait3A_979 = arith.constant 0 : i32
        %dma_wait3A_980 = tpu.memref_slice %arg6[%dma_wait3A_962, %dma_wait3A_977, %dma_wait3A_978, %dma_wait3A_979] : memref<2x4x200x32xf32, #tpu.memory_space<vmem>> -> memref<1x4x200x32xf32, #tpu.memory_space<vmem>>
        %dma_wait3A_981 = tpu.memref_squeeze %dma_wait3A_980 : memref<1x4x200x32xf32, #tpu.memory_space<vmem>> -> memref<4x200x32xf32, #tpu.memory_space<vmem>>
        tpu.wait_dma2 semaphore(%dma_wait3A_973 : memref<!tpu.dma_semaphore, #tpu.memory_space<semaphore_mem>>) src(%dma_wait3A_981 : memref<4x200x32xf32, #tpu.memory_space<vmem>>) dst(%dma_wait3A_976 : memref<4x200x32xf32, #tpu.memory_space<hbm>>)
      } else {
      }
    }
    %scan3A_422 = arith.constant 16 : i32
    return
  }
}

</mosaic_0001>

<sc_bundles>
// kernel: kernel.3.cloned.1.call-start
scs
__scs_entry_jumppad:
0x0: {  	(pc) =	sbr.rel $0x88, $3  }
0x1: {  	(tag) =	ssettag $0x0;
	lr =	simm.s32 $0x1  }
0x2: {  	[smem:$0x3F9F] =	sst lr;
	_ =	strace $0xD0000000  }
0x3: {  	_ = 	snop  }
0x4: {  	_ = 	snop  }
0x5: {  	_ = 	snop  }
0x6: {  	_ = 	snop  }
0x7: {  	_ = 	snop  }
__scs_overlays_trampoline_lowered:
0x8: {  	[smem:$0x3FAE] =	sst s0  }
0x9: {  	[smem:$0x3FAF] =	sst s1  }
0xa: {  	[smem:$0x3FB0] =	sst s2  }
0xb: {  	[smem:$0x3FB1] =	sst s3  }
0xc: {  	[smem:$0x3FB2] =	sst s4  }
0xd: {  	[smem:$0x3FB3] =	sst s5  }
0xe: {  	[smem:$0x3FB4] =	sst s6  }
0xf: {  	[smem:$0x3FB5] =	sst s7  }
0x10: {  	[smem:$0x3FB6] =	sst s8  }
0x11: {  	[smem:$0x3FB7] =	sst s9;
	s0 =	simm.s32 @!p0 $0x0  }
0x12: {  	s1 =	sld [smem:$0x3F9D];
	s0 =	simm.s32 @p0 $0x1  }
0x13: {  	[smem:$0x3FB8] =	sst s0;
	s0 =	simm.s32 @!p1 $0x0  }
0x14: {  	s2 =	sld [smem:$0x3F9C];
	s0 =	simm.s32 @p1 $0x1  }
0x15: {  	[smem:$0x3FB9] =	sst s0;
	s0 =	simm.s32 @!p2 $0x0  }
0x16: {  	s3 =	sld [smem:$0x3FDB];
	s0 =	simm.s32 @p2 $0x1  }
0x17: {  	s4 =	simm.s32 $0x1BF5;
	[smem:$0x3FBB] =	sst s0  }
0x18: {  	s0 =	sld [smem:$0x3F9E];
	_ =	swait.ge [sflag:s4], $0x0  }
0x19: {  	s7 =	sld [smem:$0x3F9F]  }
0x1a: {  	s8 =	sadd.s32 $0xFFFFE003, lr  }
0x1b: {  	s9 =	sadd.s32 $0xFFFFFEF7, lr;
	s5 =	simm.s32 $0xFFFFFFFF;
	p2 =	slt.u32 s8, $0xFFFFF086  }
0x1c: {  	p1 =	slt.u32 s9, $0xF7A;
	s5 =	simm.s32 @!p2 $0x0  }
0x1d: {  	s5 =	simm.s32 @p1 $0x1;
	p0 =	seq.s32 s7, s2  }
0x1e: {  	s7 =	smul.u32 @!p0 $0xF7A, s2;
	p2 =	seq.s32 @!p0 s5, $0x0  }
0x1f: {  	s9 =	smul.u32 $0xF7A, s1;
	s8 =	simm.s32 @!p0 $0x1BF5;
	p2 =	por !p2, p0  }
0x20: {  	[sflag:s8] =	ssyncset.s32 @!p0 $0xFFFFF086;
	s6 =	sadd.s32 @!p0 s3, s7;
	s7 =	simm.s32 @!p0 $0x108  }
0x21: {  	s3 =	sadd.s32 s3, s9;
	s6 =	sadd.s32 @!p0 $0x88, s6;
	s7 =	simm.s32 @p2 $0x1082  }
0x22: {  	[simem:s7], [sflag:s8] =	dma.local @!p0 [hbm:s6], $0xF7A  }
0x23: {  	s9 =	sor.u32 $0xD0000000, s2;
	s6 =	simm.s32 $0x108;
	_ =	swait.ge @!p0 [sflag:s8], $0x0  }
0x24: {  	s3 =	sadd.s32 $0x88, s3;
	s6 =	simm.s32 @!p1 $0x1082;
	[sflag:s4] =	ssyncset.s32 $0xFFFFF086  }
0x25: {  	[simem:s6], [sflag:s4] =	dma.local [hbm:s3], $0xF7A  }
0x26: {  	[smem:$0x3F9F] =	sst s1;
	(tag) =	ssettag s2;
	_ =	strace s9  }
0x27: {  	s1 =	sld [smem:$0x3FAF]  }
0x28: {  	s2 =	sld [smem:$0x3FB0]  }
0x29: {  	s4 =	sld [smem:$0x3FB2]  }
0x2a: {  	p0 =	seq.s32 s5, $0x0;
	s5 =	sld [smem:$0x3FB3]  }
0x2b: {  	s6 =	sld [smem:$0x3FB4]  }
0x2c: {  	s7 =	sld [smem:$0x3FB5]  }
0x2d: {  	s3 =	simm.s32 $0x108;
	s8 =	sld [smem:$0x3FB6]  }
0x2e: {  	s3 =	simm.s32 @!p0 $0x1082;
	s9 =	sld [smem:$0x3FB7]  }
0x2f: {  	lr =	sadd.s32 s0, s3;
	s0 =	sld [smem:$0x3FAE]  }
0x30: {  	s3 =	sld [smem:$0x3FB1]  }
0x31: {  	[smem:$0x3FBA] =	sst s10  }
0x32: {  	s10 =	sld [smem:$0x3FB8];
	_ =	sdelay $0x3  }
0x33: {  	p0 =	seq.s32 s10, $0x1;
	s10 =	sld [smem:$0x3FBA];
	_ =	sdelay $0x3  }
0x34: {  	[smem:$0x3FBA] =	sst s10  }
0x35: {  	s10 =	sld [smem:$0x3FB9];
	_ =	sdelay $0x3  }
0x36: {  	p1 =	seq.s32 s10, $0x1;
	s10 =	sld [smem:$0x3FBA];
	_ =	sdelay $0x3  }
0x37: {  	[smem:$0x3FBA] =	sst s10  }
0x38: {  	s10 =	sld [smem:$0x3FBB]  }
0x39: {  	_ = 	snop;
	(pc) =	sbr.ind lr, $3  }
0x3a: {  	_ = 	snop  }
0x3b: {  	_ = 	snop  }
0x3c: {  	p2 =	seq.s32 s10, $0x1;
	s10 =	sld [smem:$0x3FBA]  }
0x3d: {  	_ =	shalt  }
0x3e: {  	_ =	shalt  }
0x3f: {  	_ =	shalt  }
0x40: {  	_ =	shalt  }
0x41: {  	_ =	shalt  }
0x42: {  	_ =	shalt  }
0x43: {  	_ =	shalt  }
0x44: {  	_ =	shalt  }
0x45: {  	_ =	shalt  }
0x46: {  	_ =	shalt  }
0x47: {  	_ =	shalt  }
0x48: {  	_ =	shalt  }
0x49: {  	_ =	shalt  }
0x4a: {  	_ =	shalt  }
0x4b: {  	_ =	shalt  }
0x4c: {  	_ =	shalt  }
0x4d: {  	_ =	shalt  }
0x4e: {  	_ =	shalt  }
0x4f: {  	_ =	shalt  }
0x50: {  	_ =	shalt  }
0x51: {  	_ =	shalt  }
0x52: {  	_ =	shalt  }
0x53: {  	_ =	shalt  }
0x54: {  	_ =	shalt  }
0x55: {  	_ =	shalt  }
0x56: {  	_ =	shalt  }
0x57: {  	_ =	shalt  }
0x58: {  	_ =	shalt  }
0x59: {  	_ =	shalt  }
0x5a: {  	_ =	shalt  }
0x5b: {  	_ =	shalt  }
0x5c: {  	_ =	shalt  }
0x5d: {  	_ =	shalt  }
0x5e: {  	_ =	shalt  }
0x5f: {  	_ =	shalt  }
0x60: {  	_ =	shalt  }
0x61: {  	_ =	shalt  }
0x62: {  	_ =	shalt  }
0x63: {  	_ =	shalt  }
0x64: {  	_ =	shalt  }
0x65: {  	_ =	shalt  }
0x66: {  	_ =	shalt  }
0x67: {  	_ =	shalt  }
0x68: {  	_ =	shalt  }
0x69: {  	_ =	shalt  }
0x6a: {  	_ =	shalt  }
0x6b: {  	_ =	shalt  }
0x6c: {  	_ =	shalt  }
0x6d: {  	_ =	shalt  }
0x6e: {  	_ =	shalt  }
0x6f: {  	_ =	shalt  }
0x70: {  	_ =	shalt  }
0x71: {  	_ =	shalt  }
0x72: {  	_ =	shalt  }
0x73: {  	_ =	shalt  }
0x74: {  	_ =	shalt  }
0x75: {  	_ =	shalt  }
0x76: {  	_ =	shalt  }
0x77: {  	_ =	shalt  }
0x78: {  	_ =	shalt  }
0x79: {  	_ =	shalt  }
0x7a: {  	_ =	shalt  }
0x7b: {  	_ =	shalt  }
0x7c: {  	_ =	shalt  }
0x7d: {  	_ =	shalt  }
0x7e: {  	_ =	shalt  }
0x7f: {  	_ =	shalt  }
0x80: {  	_ =	shalt  }
0x81: {  	_ =	shalt  }
0x82: {  	_ =	shalt  }
0x83: {  	_ =	shalt  }
0x84: {  	_ =	shalt  }
0x85: {  	_ =	shalt  }
0x86: {  	_ =	shalt  }
0x87: {  	_ =	shalt  }
.Lfunc_end0:
.L_simem_size_0:
called_computation.1_lowered:
.L_overlay_start_0:
0x88: {  	s2 =	sld [smem:$0x3FD9]  }
0x89: {  	s3 =	sld [smem:$0x3FFE];
	_ =	sdelay $0x1  }
0x8a: {  	s1 =	srdreg.scid  }
0x8b: {  	s0 =	sand.u32 $0x1, s1  }
0x8c: {  	s17 =	sshll.u32 s0, $0xA;
	s2 =	sadd.s32 s3, s2  }
0x8d: {  	s2 =	sadd.s32 s2, s17  }
0x8e: {  	[smem:$0x3FC6] =	sst s2  }
0x8f: {  	_ = 	snop  }
0x90: {  	s2 =	sld [smem:$0x3FD0];
	(tm) =	ssettm $0x1  }
0x91: {  	s18 =	sld [smem:$0x3FFB];
	_ =	sdelay $0x3  }
0x92: {  	_ =	strace s18  }
0x93: {  	s3 =	sld [smem:$0x3FFC];
	_ =	sdelay $0x3  }
0x94: {  	_ =	strace s3  }
0x95: {  	s3 =	sld [smem:$0x3FFD];
	_ =	sdelay $0x3  }
0x96: {  	_ =	strace s3  }
0x97: {  	_ =	strace $0x8FFFFFFF  }
0x98: {  	s19 =	sld [smem:$0x3FDB];
	_ =	sdelay $0x1  }
0x99: {  	s4 =	simm.s32 $_scs_section_size  }
0x9a: {  	s5 =	simm.s32 $_size__tile_overlayer_lowered;
	s6 =	simm.s32 $_tile_overlayer_lowered  }
0x9b: {  	s22 =	simm.s32 $0x1BFF;
	s21 =	sshll.u32 s6, $0x1;
	s3 =	sadd.s32 s4, s19  }
0x9c: {  	s7 =	simm.s32 $0x0;
	s20 =	sshll.u32 s5, $0x1;
	s5 =	sadd.s32 s21, s3  }
0x9d: {  	[timem:s7], [sflag:s22] =	dma.local [hbm:s5], s20  }
0x9e: {  	_ =	swait.ge [sflag:s22], s20  }
0x9f: {  	s4 =	ssub.s32 $0x0, s20;
	[sflag:s22] =	ssyncset.done $0x0  }
0xa0: {  	[sflag:s22] =	ssyncadd.s32 s4;
	_ =	sdelay $0x1  }
0xa1: {  	s23 =	simm.s32 $0x1B8B  }
0xa2: {  	_ =	swait.ge [sflag:s23], $0x1  }
0xa3: {  	[sflag:s23] =	ssyncset.done $0x0  }
0xa4: {  	s25 =	simm.s32 $0x1B8E;
	s24 =	sld [smem:$0x3FFE];
	[sflag:s23] =	ssyncadd.s32 $0xFFFFFFFF  }
0xa5: {  	s26 =	simm.s32 $execute0_lowered;
	[smem:$0x3FD2] =	sst s25  }
0xa6: {  	s5 =	sshll.u32 s26, $0x1;
	_ =	strace $0x80000046;
	[dreg:$0x1] =	wrdreg $0xFFFFFFFF  }
0xa7: {  	s28 =	simm.s32 $_size_execute0_lowered;
	s3 =	sadd.s32 s3, s5;
	[dreg:$0x0] =	wrdreg $0x0  }
0xa8: {  	s5 =	sshll.u32 s28, $0x1;
	[dreg:$0x2] =	wrdreg s3  }
0xa9: {  	[dreg:$0x3] =	wrdreg s5  }
0xaa: {  	[dreg:$0x4] =	wrdreg $0xC0  }
0xab: {  	_ =	task [dreg:s7], $0x5FFFF  }
0xac: {  	[dreg:$0x1] =	wrdreg $0xFFFFFFFF  }
0xad: {  	[dreg:$0x0] =	wrdreg $0x60  }
0xae: {  	[dreg:$0x2] =	wrdreg s24  }
0xaf: {  	[dreg:$0x3] =	wrdreg s2  }
0xb0: {  	[dreg:$0x4] =	wrdreg $0x9  }
0xb1: {  	_ =	task.clear_ibuf [dreg:s7], $0x5FFFF;
	_ =	strace $0x90000046  }
0xb2: {  	s29 =	simm.s32 $0x9;
	_ =	strace $0x80000048  }
0xb3: {  	_ =	swait.ge [sflag:s29], $0x1  }
0xb4: {  	[sflag:s29] =	ssyncadd.s32 $0xFFFFFFFF  }
0xb5: {  	_ =	strace $0x90000048  }
0xb6: {  	_ =	sfence  }
0xb7: {  	s30 =	sld [smem:$0x0];
	_ =	sdelay $0x2  }
0xb8: {  	s31 =	sshll.u32 s1, $0xD;
	s1 =	sshrl.u32 s1, $0x2  }
0xb9: {  	s3 =	sand.u32 $0x4000, s31;
	s1 =	sadd.s32 s1, s30  }
0xba: {  	s0 =	sor.u32 s3, s0;
	s1 =	sshll.u32 s1, $0x11  }
0xbb: {  	s0 =	sor.u32 s1, s0  }
0xbc: {  	s0 =	sadd.s32 $0x8F2B, s0  }
0xbd: {  	[sflag:s0] =	ssyncadd.remote.s32 $0x1  }
0xbe: {  	_ =	sfence.sel $0xFFFF  }
0xbf: {  	[dreg:$0x0] =	wrdreg $0xFFFFFFFF;
	(pc) =	sbr.abs _section_cstart, $3  }
0xc0: {  	[dreg:$0x1] =	wrdreg $0xFFFFFFFF  }
0xc1: {  	_ =	task.clear_ibuf [dreg:s7], $0x2FFFF;
	_ =	strace $0x9FFFFFFF  }
0xc2: {  	(tm) =	ssettm $0x7FFFFFFF  }
0xc3: {  	_ =	shalt  }
tec
execute0_lowered:
.L_overlay_start_1:
0x0: {  	(tag) =	ssettag $0x1  }
0x1: {  	s0 =	srdreg.scid;
	s1 =	rddreg [dreg:$0x0]  }
0x2: {  	s8 =	stileid.u32;
	s6 =	rddreg [dreg:$0x1]  }
0x3: {  	s2 =	simm.s32 $0x0;
	s9 =	simm.s32 $0x6400;
	s10 =	simm.s32 $0x60  }
0x4: {  	s25 =	simm.s32 $0xC800;
	s28 =	simm.s32 $0xD500;
	s30 =	simm.s32 $0xE100  }
0x5: {  	s11 =	simm.s32 $0xFA00;
	s13 =	simm.s32 $0x10700;
	s14 =	simm.s32 $0x578  }
0x6: {  	s15 =	simm.s32 $0x11300;
	s16 =	simm.s32 $0x5E0;
	s17 =	simm.s32 $0x12000  }
0x7: {  	s18 =	simm.s32 $0x1;
	s19 =	simm.s32 $0x3;
	s20 =	simm.s32 $0x2  }
0x8: {  	s21 =	simm.s32 $0x4;
	s22 =	simm.s32 $0x0;
	s0 =	sand.u32 $0x1, s0  }
0x9: {  	s3 =	sshll.u32 s8, $0x8;
	[smem:$0x7FF] =	sst s2;
	s8 =	smul.u32 $0x32000, s8  }
0xa: {  	s4 =	sshll.u32 s0, $0x7;
	s26 =	ssub.s32 $0x2, s0;
	s0 =	smul.u32 $0x19000, s0  }
.Ltmp0:
0xb: {  	_ =	strace $0x80000047;
	s3 =	sor.u32 s4, s3;
	(pc) =	sbr.rel .LBB2_1-.Ltmp0, $4  }
0xc: {  	s7 =	sshrl.u32 s26, $0x1;
	s31 =	sadd.s32 s8, s6;
	s3 =	smul.u32 $0x19, s3  }
0xd: {  	s8 =	simm.s32 $0x68;
	s29 =	ssub.s32 s26, s7;
	s6 =	sadd.s32 s0, s31  }
0xe: {  	s7 =	simm.s32 $0x5;
	s5 =	sadd.s32 s3, s1;
	s3 =	sadd.s32 $0xF42E00, s1  }
0xf: {  	s1 =	simm.s32 $0xEE00;
	s4 =	sadd.s32 $0xA00, s5;
	s5 =	smax.u32 s29, $0x1  }
.LBB2_4:
0x10: {  	s22 =	sadd.s32 $0x1, s22  }
0x11: {  	p0 =	sne.s32 s22, s5  }
.Ltmp1:
0x12: {  	_ = 	snop;
	(pc) =	sbr.rel @!p0 .LBB2_5-.Ltmp1, $1  }
0x13: {  	_ =	sdelay $0x3  }
.LBB2_1:
0x14: {  	[tilespmem:s2], [sflag:$0x5] =	stream.linear.gather [hbm4b:s4+s2], $0x6400, $0x38;
	[tilespmem:$0x12C00] =	vst v63  }
0x15: {  	_ =	swait.ge [sflag:s7], $0x6400  }
0x16: {  	[sflag:s7] =	ssyncset.done $0x0  }
0x17: {  	[sflag:s7] =	ssyncadd.s32 $0xFFFF9C00  }
0x18: {  	[tilespmem:s9], [sflag:$0x1] =	stream.indirect.gather [hbm4b:s3+s8], $0x20, s2, s8, $0xb8;
	[tilespmem:$0x12C00] =	vst v63  }
0x19: {  	s0 =	simm.s32 $0x7100  }
0x1a: {  	[tilespmem:s0], [sflag:$0x1] =	stream.indirect.gather [hbm4b:s3+s10], $0x20, s8, s10, $0xb8;
	[tilespmem:$0x12C00] =	vst v63  }
0x1b: {  	s23 =	simm.s32 $0xC8;
	s12 =	simm.s32 $0x7D00  }
0x1c: {  	[tilespmem:s12], [sflag:$0x1] =	stream.indirect.gather [hbm4b:s3+s8], $0x20, s23, s8, $0xb8;
	[tilespmem:$0x12C00] =	vst v63  }
0x1d: {  	s24 =	simm.s32 $0x130;
	s26 =	simm.s32 $0x8A00  }
0x1e: {  	[tilespmem:s26], [sflag:$0x1] =	stream.indirect.gather [hbm4b:s3+s10], $0x20, s24, s10, $0xb8;
	[tilespmem:$0x12C00] =	vst v63  }
0x1f: {  	s29 =	simm.s32 $0x190;
	s31 =	simm.s32 $0x9600  }
0x20: {  	[tilespmem:s31], [sflag:$0x1] =	stream.indirect.gather [hbm4b:s3+s8], $0x20, s29, s8, $0xb8;
	[tilespmem:$0x12C00] =	vst v63  }
0x21: {  	s12 =	simm.s32 $0x1F8;
	s23 =	simm.s32 $0xA300  }
0x22: {  	[tilespmem:s23], [sflag:$0x1] =	stream.indirect.gather [hbm4b:s3+s10], $0x20, s12, s10, $0xb8;
	[tilespmem:$0x12C00] =	vst v63  }
0x23: {  	s24 =	simm.s32 $0x258;
	s26 =	simm.s32 $0xAF00  }
0x24: {  	[tilespmem:s26], [sflag:$0x1] =	stream.indirect.gather [hbm4b:s3+s8], $0x20, s24, s8, $0xb8;
	[tilespmem:$0x12C00] =	vst v63  }
0x25: {  	s29 =	simm.s32 $0x2C0;
	s31 =	simm.s32 $0xBC00  }
0x26: {  	[tilespmem:s31], [sflag:$0x1] =	stream.indirect.gather [hbm4b:s3+s10], $0x20, s29, s10, $0xb8;
	[tilespmem:$0x12C00] =	vst v63  }
0x27: {  	s12 =	simm.s32 $0x320  }
0x28: {  	[tilespmem:s25], [sflag:$0x2] =	stream.indirect.gather [hbm4b:s3+s8], $0x20, s12, s8, $0xb8;
	[tilespmem:$0x12C00] =	vst v63  }
0x29: {  	s23 =	simm.s32 $0x388  }
0x2a: {  	[tilespmem:s28], [sflag:$0x2] =	stream.indirect.gather [hbm4b:s3+s10], $0x20, s23, s10, $0xb8;
	[tilespmem:$0x12C00] =	vst v63  }
0x2b: {  	s24 =	simm.s32 $0x3E8  }
0x2c: {  	[tilespmem:s30], [sflag:$0x2] =	stream.indirect.gather [hbm4b:s3+s8], $0x20, s24, s8, $0xb8;
	[tilespmem:$0x12C00] =	vst v63  }
0x2d: {  	s26 =	simm.s32 $0x450  }
0x2e: {  	[tilespmem:s1], [sflag:$0x2] =	stream.indirect.gather [hbm4b:s3+s10], $0x20, s26, s10, $0xb8;
	[tilespmem:$0x12C00] =	vst v63  }
0x2f: {  	s29 =	simm.s32 $0x4B0  }
0x30: {  	[tilespmem:s11], [sflag:$0x2] =	stream.indirect.gather [hbm4b:s3+s8], $0x20, s29, s8, $0xb8;
	[tilespmem:$0x12C00] =	vst v63  }
0x31: {  	s31 =	simm.s32 $0x518  }
0x32: {  	[tilespmem:s13], [sflag:$0x2] =	stream.indirect.gather [hbm4b:s3+s10], $0x20, s31, s10, $0xb8;
	[tilespmem:$0x12C00] =	vst v63  }
0x33: {  	_ = 	snop  }
0x34: {  	[tilespmem:s15], [sflag:$0x2] =	stream.indirect.gather [hbm4b:s3+s8], $0x20, s14, s8, $0xb8;
	[tilespmem:$0x12C00] =	vst v63  }
0x35: {  	s23 =	simm.s32 $0x0  }
0x36: {  	[tilespmem:s17], [sflag:$0x2] =	stream.indirect.gather [hbm4b:s3+s10], $0x20, s16, s10, $0xb8;
	[tilespmem:$0x12C00] =	vst v63  }
.LBB2_2:
0x37: {  	_ =	swait.ge [sflag:s18], $0xD00  }
0x38: {  	[sflag:s18] =	ssyncset.done $0x0  }
0x39: {  	[sflag:s18] =	ssyncadd.s32 $0xFFFFF300  }
0x3a: {  	_ =	swait.ge [sflag:s18], $0xC00  }
0x3b: {  	[sflag:s18] =	ssyncset.done $0x0  }
0x3c: {  	[sflag:s18] =	ssyncadd.s32 $0xFFFFF400  }
0x3d: {  	_ =	swait.ge [sflag:s18], $0xD00  }
0x3e: {  	[sflag:s18] =	ssyncset.done $0x0  }
0x3f: {  	[sflag:s18] =	ssyncadd.s32 $0xFFFFF300  }
0x40: {  	_ =	swait.ge [sflag:s18], $0xC00  }
0x41: {  	[sflag:s18] =	ssyncset.done $0x0  }
0x42: {  	[sflag:s18] =	ssyncadd.s32 $0xFFFFF400  }
0x43: {  	_ =	swait.ge [sflag:s18], $0xD00  }
0x44: {  	[sflag:s18] =	ssyncset.done $0x0  }
0x45: {  	[sflag:s18] =	ssyncadd.s32 $0xFFFFF300  }
0x46: {  	_ =	swait.ge [sflag:s18], $0xC00  }
0x47: {  	[sflag:s18] =	ssyncset.done $0x0  }
0x48: {  	[sflag:s18] =	ssyncadd.s32 $0xFFFFF400  }
0x49: {  	_ =	swait.ge [sflag:s18], $0xD00  }
0x4a: {  	[sflag:s18] =	ssyncset.done $0x0  }
0x4b: {  	[sflag:s18] =	ssyncadd.s32 $0xFFFFF300  }
0x4c: {  	_ =	swait.ge [sflag:s18], $0xC00  }
0x4d: {  	[sflag:s18] =	ssyncset.done $0x0  }
0x4e: {  	s24 =	sadd.s32 s23, s6;
	[sflag:s18] =	ssyncadd.s32 $0xFFFFF400  }
0x4f: {  	[hbm4b:s24+s2] =	stream.linear.scatter [tilespmem:s9], [sflag:$0x3], $0x6400, $0x38;
	[tilespmem:$0x12C00] =	vst v63  }
0x50: {  	p0 =	seq.s32 s23, $0x17700;
	_ =	swait.ge [sflag:s19], $0x6400  }
0x51: {  	s26 =	sshra.s32 @!p0 s23, $0x2;
	s31 =	simm.s32 @!p0 $0x68;
	[sflag:s19] =	ssyncset.done $0x0  }
0x52: {  	s0 =	simm.s32 @!p0 $0x6400;
	s29 =	sadd.s32 @!p0 $0x640, s26;
	[sflag:s19] =	ssyncadd.s32 $0xFFFF9C00  }
0x53: {  	[tilespmem:s0], [sflag:$0x1] =	stream.indirect.gather @!p0 [hbm4b:s3+s31], $0x20, s29, s31, $0xb8;
	[tilespmem:$0x12C00] =	vst v63  }
0x54: {  	s12 =	simm.s32 @!p0 $0x7100;
	s0 =	sadd.s32 @!p0 $0x6A8, s26;
	s29 =	simm.s32 @!p0 $0x60  }
0x55: {  	[tilespmem:s12], [sflag:$0x1] =	stream.indirect.gather @!p0 [hbm4b:s3+s29], $0x20, s0, s29, $0xb8;
	[tilespmem:$0x12C00] =	vst v63  }
0x56: {  	s0 =	sadd.s32 @!p0 $0x708, s26;
	s12 =	simm.s32 @!p0 $0x7D00  }
0x57: {  	[tilespmem:s12], [sflag:$0x1] =	stream.indirect.gather @!p0 [hbm4b:s3+s31], $0x20, s0, s31, $0xb8;
	[tilespmem:$0x12C00] =	vst v63  }
0x58: {  	s0 =	sadd.s32 @!p0 $0x770, s26;
	s12 =	simm.s32 @!p0 $0x8A00  }
0x59: {  	[tilespmem:s12], [sflag:$0x1] =	stream.indirect.gather @!p0 [hbm4b:s3+s29], $0x20, s0, s29, $0xb8;
	[tilespmem:$0x12C00] =	vst v63  }
0x5a: {  	s0 =	sadd.s32 @!p0 $0x7D0, s26;
	s12 =	simm.s32 @!p0 $0x9600  }
0x5b: {  	[tilespmem:s12], [sflag:$0x1] =	stream.indirect.gather @!p0 [hbm4b:s3+s31], $0x20, s0, s31, $0xb8;
	[tilespmem:$0x12C00] =	vst v63  }
0x5c: {  	s0 =	sadd.s32 @!p0 $0x838, s26;
	s12 =	simm.s32 @!p0 $0xA300  }
0x5d: {  	[tilespmem:s12], [sflag:$0x1] =	stream.indirect.gather @!p0 [hbm4b:s3+s29], $0x20, s0, s29, $0xb8;
	[tilespmem:$0x12C00] =	vst v63  }
0x5e: {  	s0 =	sadd.s32 @!p0 $0x898, s26;
	s12 =	simm.s32 @!p0 $0xAF00  }
0x5f: {  	[tilespmem:s12], [sflag:$0x1] =	stream.indirect.gather @!p0 [hbm4b:s3+s31], $0x20, s0, s31, $0xb8;
	[tilespmem:$0x12C00] =	vst v63  }
0x60: {  	s0 =	sadd.s32 @!p0 $0x900, s26;
	s12 =	simm.s32 @!p0 $0xBC00  }
0x61: {  	[tilespmem:s12], [sflag:$0x1] =	stream.indirect.gather @!p0 [hbm4b:s3+s29], $0x20, s0, s29, $0xb8;
	[tilespmem:$0x12C00] =	vst v63  }
0x62: {  	_ =	swait.ge [sflag:s20], $0xD00  }
0x63: {  	[sflag:s20] =	ssyncset.done $0x0  }
0x64: {  	[sflag:s20] =	ssyncadd.s32 $0xFFFFF300  }
0x65: {  	_ =	swait.ge [sflag:s20], $0xC00  }
0x66: {  	[sflag:s20] =	ssyncset.done $0x0  }
0x67: {  	[sflag:s20] =	ssyncadd.s32 $0xFFFFF400  }
0x68: {  	_ =	swait.ge [sflag:s20], $0xD00  }
0x69: {  	[sflag:s20] =	ssyncset.done $0x0  }
0x6a: {  	[sflag:s20] =	ssyncadd.s32 $0xFFFFF300  }
0x6b: {  	_ =	swait.ge [sflag:s20], $0xC00  }
0x6c: {  	[sflag:s20] =	ssyncset.done $0x0  }
0x6d: {  	[sflag:s20] =	ssyncadd.s32 $0xFFFFF400  }
0x6e: {  	_ =	swait.ge [sflag:s20], $0xD00  }
0x6f: {  	[sflag:s20] =	ssyncset.done $0x0  }
0x70: {  	[sflag:s20] =	ssyncadd.s32 $0xFFFFF300  }
0x71: {  	_ =	swait.ge [sflag:s20], $0xC00  }
0x72: {  	[sflag:s20] =	ssyncset.done $0x0  }
0x73: {  	[sflag:s20] =	ssyncadd.s32 $0xFFFFF400  }
0x74: {  	_ =	swait.ge [sflag:s20], $0xD00  }
0x75: {  	[sflag:s20] =	ssyncset.done $0x0  }
0x76: {  	[sflag:s20] =	ssyncadd.s32 $0xFFFFF300  }
0x77: {  	_ =	swait.ge [sflag:s20], $0xC00  }
0x78: {  	[sflag:s20] =	ssyncset.done $0x0  }
.Ltmp2:
0x79: {  	s31 =	sadd.s32 $0xC80, s24;
	[sflag:s20] =	ssyncadd.s32 $0xFFFFF400;
	(pc) =	sbr.rel @p0 .LBB2_4-.Ltmp2, $4  }
0x7a: {  	[hbm4b:s31+s2] =	stream.linear.scatter [tilespmem:s25], [sflag:$0x4], $0x6400, $0x38;
	[tilespmem:$0x12C00] =	vst v63  }
0x7b: {  	_ =	swait.ge [sflag:s21], $0x6400  }
0x7c: {  	[sflag:s21] =	ssyncset.done $0x0  }
0x7d: {  	[sflag:s21] =	ssyncadd.s32 $0xFFFF9C00  }
0x7e: {  	s0 =	sshra.s32 s23, $0x2  }
0x7f: {  	s12 =	sadd.s32 $0x960, s0  }
0x80: {  	[tilespmem:s25], [sflag:$0x2] =	stream.indirect.gather [hbm4b:s3+s8], $0x20, s12, s8, $0xb8;
	[tilespmem:$0x12C00] =	vst v63  }
0x81: {  	s29 =	sadd.s32 $0x9C8, s0  }
0x82: {  	[tilespmem:s28], [sflag:$0x2] =	stream.indirect.gather [hbm4b:s3+s10], $0x20, s29, s10, $0xb8;
	[tilespmem:$0x12C00] =	vst v63  }
0x83: {  	s31 =	sadd.s32 $0xA28, s0  }
0x84: {  	[tilespmem:s30], [sflag:$0x2] =	stream.indirect.gather [hbm4b:s3+s8], $0x20, s31, s8, $0xb8;
	[tilespmem:$0x12C00] =	vst v63  }
0x85: {  	s24 =	sadd.s32 $0xA90, s0  }
0x86: {  	[tilespmem:s1], [sflag:$0x2] =	stream.indirect.gather [hbm4b:s3+s10], $0x20, s24, s10, $0xb8;
	[tilespmem:$0x12C00] =	vst v63  }
0x87: {  	s26 =	sadd.s32 $0xAF0, s0  }
0x88: {  	[tilespmem:s11], [sflag:$0x2] =	stream.indirect.gather [hbm4b:s3+s8], $0x20, s26, s8, $0xb8;
	[tilespmem:$0x12C00] =	vst v63  }
0x89: {  	s29 =	sadd.s32 $0xB58, s0  }
0x8a: {  	[tilespmem:s13], [sflag:$0x2] =	stream.indirect.gather [hbm4b:s3+s10], $0x20, s29, s10, $0xb8;
	[tilespmem:$0x12C00] =	vst v63  }
.Ltmp3:
0x8b: {  	_ = 	snop;
	(pc) =	sbr.rel .LBB2_2-.Ltmp3, $4  }
0x8c: {  	s31 =	sadd.s32 $0xBB8, s0  }
0x8d: {  	[tilespmem:s15], [sflag:$0x2] =	stream.indirect.gather [hbm4b:s3+s8], $0x20, s31, s8, $0xb8;
	[tilespmem:$0x12C00] =	vst v63  }
0x8e: {  	s23 =	sadd.s32 $0x1900, s23;
	s0 =	sadd.s32 $0xC20, s0  }
0x8f: {  	[tilespmem:s17], [sflag:$0x2] =	stream.indirect.gather [hbm4b:s3+s10], $0x20, s0, s10, $0xb8;
	[tilespmem:$0x12C00] =	vst v63  }
.LBB2_5:
0x90: {  	_ =	sfence.sel $0x180000  }
0x91: {  	[bflag:$0x0] =	sbarrier.arrive $0xFFFF  }
0x92: {  	_ =	strace $0x90000047  }
0x93: {  	s0 =	stileid.u32;
	[bflag:$0x2] =	sbarrier.arrive $0xFFFF  }
0x94: {  	p0 =	sne.s32 s0, $0x0;
	s0 =	rddreg [dreg:$0x2]  }
0x95: {  	s0 =	sadd.s32 @!p0 $0x100000, s0  }
0x96: {  	[sflag:s0] =	ssyncadd.tile.s32 @!p0 $0x1;
	_ =	shalt  }
.Lfunc_end2:
_tile_overlayer_lowered:
.L_overlay_start_2:
0x97: {  	(tag) =	ssettag $0x2  }
0x98: {  	s0 =	rddreg [dreg:$0x0];
	s2 =	stileid.u32  }
0x99: {  	s1 =	rddreg [dreg:$0x1];
	p0 =	sne.s32 s2, $0x0  }
0x9a: {  	s3 =	rddreg [dreg:$0x2];
	[bflag:$0x3] =	sbarrier.arrive $0xFFFF;
	s2 =	simm.s32 @!p0 $0x1C05  }
0x9b: {  	[timem:s3], [sflag:s2] =	dma.local @!p0 [hbm:s0], s1  }
0x9c: {  	s0 =	simm.s32 @!p0 $0x5  }
0x9d: {  	_ =	swait.ge @!p0 [sflag:s0], s1  }
0x9e: {  	s1 =	ssub.s32 @!p0 $0x0, s1;
	[sflag:s0] =	ssyncset.done @!p0 $0x0  }
0x9f: {  	[sflag:s0] =	ssyncadd.s32 @!p0 s1  }
0xa0: {  	[bflag:$0x3] =	sbarrier.arrive $0xFFFF  }
0xa1: {  	_ =	shalt  }

// kernel: sparse-core-data-format-call.cloned.1.call-start
scs
called_computation_lowered:
.L_overlay_start_0:
0x0: {  	s2 =	sld [smem:$0x3FD9]  }
0x1: {  	s3 =	sld [smem:$0x3FFE];
	_ =	sdelay $0x1  }
0x2: {  	s1 =	srdreg.scid  }
0x3: {  	s0 =	sand.u32 $0x1, s1  }
0x4: {  	s18 =	sshll.u32 s0, $0xA;
	s2 =	sadd.s32 s3, s2  }
0x5: {  	s2 =	sadd.s32 s2, s18  }
0x6: {  	[smem:$0x3FC6] =	sst s2  }
0x7: {  	_ = 	snop  }
0x8: {  	s2 =	sld [smem:$0x3FD0];
	(tm) =	ssettm $0x1  }
0x9: {  	s19 =	sld [smem:$0x3FFB];
	_ =	sdelay $0x3  }
0xa: {  	_ =	strace s19  }
0xb: {  	s3 =	sld [smem:$0x3FFC];
	_ =	sdelay $0x3  }
0xc: {  	_ =	strace s3  }
0xd: {  	s3 =	sld [smem:$0x3FFD];
	_ =	sdelay $0x3  }
0xe: {  	_ =	strace s3  }
0xf: {  	_ =	strace $0x8FFFFFFF  }
0x10: {  	s20 =	sld [smem:$0x3FDB];
	_ =	sdelay $0x1  }
0x11: {  	s4 =	simm.s32 $_scs_section_size  }
0x12: {  	s5 =	simm.s32 $_size__tile_overlayer_lowered;
	s6 =	simm.s32 $_tile_overlayer_lowered  }
0x13: {  	s23 =	simm.s32 $0x1BFF;
	s22 =	sshll.u32 s6, $0x1;
	s3 =	sadd.s32 s4, s20  }
0x14: {  	s7 =	simm.s32 $0x0;
	s21 =	sshll.u32 s5, $0x1;
	s5 =	sadd.s32 s22, s3  }
0x15: {  	[timem:s7], [sflag:s23] =	dma.local [hbm:s5], s21  }
0x16: {  	_ =	swait.ge [sflag:s23], s21  }
0x17: {  	s4 =	ssub.s32 $0x0, s21;
	[sflag:s23] =	ssyncset.done $0x0  }
0x18: {  	[sflag:s23] =	ssyncadd.s32 s4;
	_ =	sdelay $0x1  }
0x19: {  	s24 =	simm.s32 $0x1B8B  }
0x1a: {  	_ =	swait.ge [sflag:s24], $0x1  }
0x1b: {  	[sflag:s24] =	ssyncset.done $0x0  }
0x1c: {  	s26 =	simm.s32 $0x1B8E;
	s25 =	sld [smem:$0x3FFE];
	[sflag:s24] =	ssyncadd.s32 $0xFFFFFFFF  }
0x1d: {  	s27 =	simm.s32 $execute0_lowered;
	[smem:$0x3FD2] =	sst s26  }
0x1e: {  	s5 =	sshll.u32 s27, $0x1;
	_ =	strace $0x80000049;
	[dreg:$0x1] =	wrdreg $0xFFFFFFFF  }
0x1f: {  	s28 =	simm.s32 $_size_execute0_lowered;
	s3 =	sadd.s32 s3, s5;
	[dreg:$0x0] =	wrdreg $0x0  }
0x20: {  	s5 =	sshll.u32 s28, $0x1;
	[dreg:$0x2] =	wrdreg s3  }
0x21: {  	[dreg:$0x3] =	wrdreg s5  }
0x22: {  	[dreg:$0x4] =	wrdreg $0xC0  }
0x23: {  	_ =	task [dreg:s7], $0x5FFFF  }
0x24: {  	[dreg:$0x1] =	wrdreg $0xFFFFFFFF  }
0x25: {  	[dreg:$0x0] =	wrdreg $0x60  }
0x26: {  	[dreg:$0x2] =	wrdreg s25  }
0x27: {  	[dreg:$0x3] =	wrdreg s2  }
0x28: {  	[dreg:$0x4] =	wrdreg $0x9  }
0x29: {  	_ =	task.clear_ibuf [dreg:s7], $0x5FFFF;
	_ =	strace $0x90000049  }
0x2a: {  	s29 =	simm.s32 $0x9;
	_ =	strace $0x8000004B  }
0x2b: {  	_ =	swait.ge [sflag:s29], $0x1  }
0x2c: {  	[sflag:s29] =	ssyncadd.s32 $0xFFFFFFFF  }
0x2d: {  	_ =	strace $0x9000004B  }
0x2e: {  	_ =	sfence  }
0x2f: {  	s30 =	sld [smem:$0x0];
	_ =	sdelay $0x2  }
0x30: {  	s31 =	sshll.u32 s1, $0xD;
	s1 =	sshrl.u32 s1, $0x2  }
0x31: {  	s3 =	sand.u32 $0x4000, s31;
	s1 =	sadd.s32 s1, s30  }
0x32: {  	s0 =	sor.u32 s3, s0;
	s1 =	sshll.u32 s1, $0x11  }
0x33: {  	s0 =	sor.u32 s1, s0  }
0x34: {  	s0 =	sadd.s32 $0x8F2B, s0  }
0x35: {  	[sflag:s0] =	ssyncadd.remote.s32 $0x1  }
0x36: {  	_ =	sfence.sel $0xFFFF  }
0x37: {  	[dreg:$0x0] =	wrdreg $0xFFFFFFFF;
	(pc) =	sbr.abs _section_cstart, $3  }
0x38: {  	[dreg:$0x1] =	wrdreg $0xFFFFFFFF  }
0x39: {  	_ =	task.clear_ibuf [dreg:s7], $0x2FFFF;
	_ =	strace $0x9FFFFFFF  }
0x3a: {  	(tm) =	ssettm $0x7FFFFFFF  }
0x3b: {  	_ =	shalt  }
tec
execute0_lowered:
.L_overlay_start_1:
0x0: {  	(tag) =	ssettag $0x1  }
0x1: {  	s0 =	srdreg.scid  }
0x2: {  	s1 =	sshll.u32 s0, $0x4  }
0x3: {  	s0 =	stileid.u32;
	s1 =	sand.u32 $0x10, s1  }
0x4: {  	s1 =	sor.u32 s0, s1  }
0x5: {  	s6 =	rddreg [dreg:$0x0];
	s4 =	simm.s32 $0x1;
	s2 =	sshll.u32 s1, $0x7  }
0x6: {  	s7 =	simm.s32 $0x2;
	s12 =	simm.s32 $0x0;
	s1 =	ssub.s32 $0x1000, s2  }
0x7: {  	s8 =	simm.s32 $0x8000;
	s13 =	simm.s32 $0x0;
	s3 =	sand.u32 $0xF80, s1  }
0x8: {  	s9 =	simm.s32 $0x0;
	s5 =	sshrl.u32 s1, $0xC;
	p0 =	sne.s32 s3, $0x0  }
.Ltmp0:
0x9: {  	s1 =	rddreg [dreg:$0x2];
	s4 =	simm.s32 @!p0 $0x0;
	(pc) =	sbr.rel .LBB1_1-.Ltmp0, $4  }
0xa: {  	s11 =	simm.s32 $0x0;
	s3 =	rddreg [dreg:$0x1];
	s5 =	sadd.s32 s4, s5  }
0xb: {  	_ =	strace $0x8000004A;
	s4 =	simm.s32 $0x1;
	s5 =	smul.u32 $0xC8, s5  }
0xc: {  	s6 =	sadd.s32 $0xA00, s6;
	s10 =	smov.u32 s2;
	[sflag:s4] =	ssyncpa.u1 $0x0  }
0xd: {  	p0 =	por $0x0, $0x0;
	[sflag:s7] =	ssyncpa.u1 $0x0;
	s7 =	sor.u32 $0x1, s5  }
.LBB1_4:
0xe: {  	s16 =	sshll.u32 s13, $0x3;
	s17 =	sand.u32 $0x78, s13  }
0xf: {  	s30 =	sand.u32 $0x3E00, s13;
	s12 =	sshll.u32 s12, $0xE;
	s16 =	sand.u32 $0xC00, s16  }
0x10: {  	s31 =	sand.u32 $0x7, s13;
	s16 =	sor.u32 s17, s16;
	s17 =	sadd.s32 s3, s30  }
0x11: {  	s13 =	sshll.u32 s31, $0x12;
	s16 =	sshrl.u32 s16, $0x3;
	s12 =	sadd.s32 s12, s17  }
0x12: {  	[tilespmem:s15+$0x0 ss:$0x81] =	vst.msk $0xffff, v0;
	s13 =	sor.u32 $0x400, s13;
	s12 =	sadd.s32 s16, s12  }
0x13: {  	[hbm4b:s12+s13] =	stream.strided.scatter [tilespmem:s14], [sflag:$0x2], $0x1000, s8, s13, $0x20;
	[tilespmem:$0x4040] =	vst v63  }
.LBB1_5:
0x14: {  	s14 =	sadd.s32 $0x1, s9  }
0x15: {  	s12 =	sadd.s32 $0x1000, s10;
	s16 =	smov.u32 s10;
	p2 =	sgt.s32 s14, $0xC7  }
0x16: {  	s16 =	smov.u32 @p2 s12  }
0x17: {  	s14 =	simm.s32 @p2 $0x0;
	p2 =	sgt.s32 s16, $0xFFF  }
0x18: {  	s16 =	smov.u32 @p2 s2;
	p2 =	sne.s32 s11, s7  }
.Ltmp1:
0x19: {  	p1 =	slt.u32 s11, $0x2;
	(pc) =	sbr.rel @!p2 .LBB1_6-.Ltmp1, $4  }
0x1a: {  	s15 =	simm.s32 @!p1 $0x2  }
0x1b: {  	s13 =	smov.u32 s10;
	p0 =	por !p0, !p0;
	_ =	swait.ge @!p1 [sflag:s15], $0x1000  }
0x1c: {  	s12 =	smov.u32 s9;
	[sflag:s15] =	ssyncset.done @!p1 $0x0;
	s9 =	smov.u32 s14  }
0x1d: {  	s11 =	sadd.s32 $0x1, s11;
	[sflag:s15] =	ssyncadd.s32 @!p1 $0xFFFFF000;
	s10 =	smov.u32 s16  }
.LBB1_1:
0x1e: {  	p1 =	sge.u32 s11, s5  }
0x1f: {  	s14 =	sand.u32 @!p1 $0x1FFFFFF, s9  }
0x20: {  	s15 =	smulhi.u32 @!p1 $0x147AE15, s14;
	_ =	sdelay $0x1  }
0x21: {  	s15 =	smul.u32 @!p1 $0xC8, s15  }
0x22: {  	s16 =	sxor.u32 @!p1 $0xFFFFFFFF, s11;
	s17 =	smul.u32 @!p1 $0xC80, s10  }
0x23: {  	s31 =	sadd.s32 $0xFFFFFFFF, s11;
	s16 =	sshll.u32 @!p1 s16, $0xC;
	s14 =	ssub.s32 @!p1 s14, s15  }
0x24: {  	s15 =	sand.u32 @!p1 $0x1000, s16;
	s16 =	sadd.s32 @!p1 s6, s17;
	s14 =	sshll.u32 @!p1 s14, $0x4  }
0x25: {  	s17 =	simm.s32 @!p1 $0x6400;
	s14 =	sadd.s32 @!p1 s14, s16;
	s16 =	simm.s32 @!p1 $0x20  }
0x26: {  	[tilespmem:s15], [sflag:$0x1] =	stream.strided.gather @!p1 [hbm4b:s14+s16], $0x1000, s17, s16, $0x38;
	[tilespmem:$0x4040] =	vst v63  }
0x27: {  	p1 =	sge.u32 s31, s5  }
.Ltmp2:
0x28: {  	_ = 	snop;
	(pc) =	sbr.rel @p1 .LBB1_5-.Ltmp2, $1  }
0x29: {  	_ =	sdelay $0x3  }
0x2a: {  	s14 =	simm.s32 $0x1  }
0x2b: {  	_ =	swait.ge [sflag:s4], $0x1000;
	s14 =	simm.s32 @!p0 $0x0  }
0x2c: {  	[sflag:s4] =	ssyncset.done $0x0;
	s15 =	sshll.u32 s14, $0xC  }
0x2d: {  	[sflag:s4] =	ssyncadd.s32 $0xFFFFF000;
	s18 =	sor.u32 $0x10, s15  }
0x2e: {  	s14 =	smul.u32 $0x4080, s14;
	v1 =	vld [tilespmem:s18+$0x0]  }
0x2f: {  	s30 =	sand.u32 $0x1, s11;
	v0 =	vld [tilespmem:s18+$0xFFFFFFF0]  }
0x30: {  	s15 =	smul.u32 $0x4080, s30;
	s14 =	sshrl.u32 s14, $0x2  }
0x31: {  	s16 =	sor.u32 $0x2000, s14  }
0x32: {  	s31 =	sshrl.u32 s15, $0x2;
	s15 =	sadd.s32 $0x0, s16  }
0x33: {  	s17 =	simm.s32 $0x4;
	s18 =	sadd.s32 $0x20, s18;
	s14 =	sor.u32 $0x2000, s31;
	[tilespmem:s15+$0x810 ss:$0x81] =	vst.msk $0xffff, v1  }
.LBB1_3:
0x34: {  	v1 =	vld [tilespmem:s18+$0x0];
	p1 =	sne.s32 s17, $0x1FC;
	[tilespmem:s15+$0x0 ss:$0x81] =	vst.msk $0xffff, v0;
	s15 =	smov.u32 s17;
	s17 =	sadd.s32 $0x4, s17  }
.Ltmp3:
0x35: {  	v0 =	vld [tilespmem:s18+$0xFFFFFFF0];
	(pc) =	sbr.rel @p1 .LBB1_3-.Ltmp3, $4  }
0x36: {  	_ = 	snop  }
0x37: {  	s15 =	sshra.s32 s15, $0x2  }
0x38: {  	s15 =	sadd.s32 s15, s16  }
0x39: {  	s18 =	sadd.s32 $0x20, s18;
	[tilespmem:s15+$0x810 ss:$0x81] =	vst.msk $0xffff, v1  }
.Ltmp4:
0x3a: {  	_ = 	snop;
	(pc) =	sbr.rel .LBB1_4-.Ltmp4, $1  }
0x3b: {  	_ =	sdelay $0x3  }
.LBB1_6:
0x3c: {  	_ =	sfence.sel $0x180000  }
0x3d: {  	s2 =	simm.s32 $0x1;
	[bflag:$0x0] =	sbarrier.arrive $0xFFFF  }
0x3e: {  	s31 =	simm.s32 $0x2;
	[sflag:s2] =	ssyncpa.u1 $0x1  }
0x3f: {  	[sflag:s31] =	ssyncpa.u1 $0x1  }
0x40: {  	p0 =	sne.s32 s0, $0x0;
	_ =	strace $0x9000004A  }
0x41: {  	s0 =	sadd.s32 @!p0 $0x100000, s1;
	[bflag:$0x2] =	sbarrier.arrive $0xFFFF  }
0x42: {  	[sflag:s0] =	ssyncadd.tile.s32 @!p0 $0x1;
	_ =	shalt  }
.Lfunc_end1:
_tile_overlayer_lowered:
.L_overlay_start_2:
0x43: {  	(tag) =	ssettag $0x2  }
0x44: {  	s0 =	rddreg [dreg:$0x0];
	s2 =	stileid.u32  }
0x45: {  	s1 =	rddreg [dreg:$0x1];
	p0 =	sne.s32 s2, $0x0  }
0x46: {  	s3 =	rddreg [dreg:$0x2];
	[bflag:$0x3] =	sbarrier.arrive $0xFFFF;
	s2 =	simm.s32 @!p0 $0x1C01  }
0x47: {  	[timem:s3], [sflag:s2] =	dma.local @!p0 [hbm:s0], s1  }
0x48: {  	s0 =	simm.s32 @!p0 $0x1  }
0x49: {  	_ =	swait.ge @!p0 [sflag:s0], s1  }
0x4a: {  	s1 =	ssub.s32 @!p0 $0x0, s1;
	[sflag:s0] =	ssyncset.done @!p0 $0x0  }
0x4b: {  	[sflag:s0] =	ssyncadd.s32 @!p0 s1  }
0x4c: {  	[bflag:$0x3] =	sbarrier.arrive $0xFFFF  }
0x4d: {  	_ =	shalt  }

</sc_bundles>
